<compile_context>
chip_gen: v7x
topology: tpu7x:2x2x1
jax: 0.10.2.dev20260603
libtpu: 0.0.44.dev20260713+nightly
codegen_flags: <defaults>
</compile_context>

<pallas_src>
import functools

import jax
import jax.numpy as jnp
from jax import lax
from jax.experimental import pallas as pl
from jax.experimental.pallas import tpu as pltpu
from jax.experimental.pallas import tpu_sc as plsc

_S = 25
_SP = 32
_R = 1024
_NEG = -1.0
_POS = 1e30
_G = 64

_W_CACHE = {}


def _w_const(b, n):
    if (b, n) not in _W_CACHE:
        u = jax.random.uniform(jax.random.key(42), (b, n, n),
                               dtype=jnp.float32, minval=1e-10, maxval=1.0)
        _W_CACHE[(b, n)] = 1.0 / (-jnp.log(u))
    return _W_CACHE[(b, n)]


def _stage1_body(d_ref, w_ref, idx_ref, *, rows_per_blk, n):
    row_base = pl.program_id(1) * rows_per_blk
    d = d_ref[0]
    w = w_ref[0]
    col_ids = jax.lax.broadcasted_iota(jnp.int32, (rows_per_blk, n), 1)
    row_ids = row_base + jax.lax.broadcasted_iota(
        jnp.int32, (rows_per_blk, n), 0)
    dproc = jnp.where(col_ids == row_ids, 1e6, d)
    s = w / (dproc + 1e-6)

    lane = jax.lax.broadcasted_iota(jnp.int32, (rows_per_blk, _SP), 1)

    def topk_body(k, carry):
        s, iacc = carry
        m = jnp.max(s, axis=1, keepdims=True)
        cand = jnp.where(s >= m, col_ids, n)
        jm = jnp.min(cand, axis=1, keepdims=True)
        iacc = jnp.where(lane == k, jm, iacc)
        s = jnp.where(cand == jm, _NEG, s)
        return s, iacc

    iacc0 = jnp.zeros((rows_per_blk, _SP), jnp.int32)
    _, iacc = jax.lax.fori_loop(0, _S, topk_body, (s, iacc0))
    idx_ref[0] = iacc


def _sc_body(dist_hbm, idx_hbm, rows_hbm, cols_hbm,
             idxblk, flat, vals, outbuf, sem, *, b, n, nc, nw):
    rows_per_w = (b * n) // nw
    n_groups = rows_per_w // _G
    wid = lax.axis_index("s") * nc + lax.axis_index("c")
    lane16 = lax.iota(jnp.int32, 16)
    padmask = lane16 >= (_S - 16)

    def group_body(g, _):
        r0 = wid * rows_per_w + g * _G
        pltpu.sync_copy(idx_hbm.at[pl.ds(r0 * _SP, _G * _SP)], idxblk)

        def build_body(r, _):
            rg = r0 + r
            bb = rg // n
            ii = rg - bb * n
            rowbase = bb * n * n + ii * n
            colbase = bb * n * n + ii
            j0 = idxblk[pl.ds(r * _SP, 16)]
            j1 = idxblk[pl.ds(r * _SP + 16, 16)]
            flat[pl.ds(r * 64, 16)] = rowbase + j0
            flat[pl.ds(r * 64 + 16, 16)] = rowbase + j1
            flat[pl.ds(r * 64 + 32, 16)] = j0 * n + colbase
            flat[pl.ds(r * 64 + 48, 16)] = j1 * n + colbase
            return 0

        lax.fori_loop(0, _G, build_body, 0)

        copies = [
            pltpu.async_copy(dist_hbm.at[flat.at[pl.ds(c * 128, 128)]],
                             vals.at[pl.ds(c * 128, 128)], sem)
            for c in range(_G * 64 // 128)
        ]
        for cp in copies:
            cp.wait()

        def vsort(x):
            return plsc.sort_key_val(x, x)[0]

        def sort25(v0, v1):
            v1 = jnp.where(padmask, _POS, v1)
            a = vsort(v0)
            c = vsort(v1)
            rc = lax.rev(c, (0,))
            lo = vsort(jnp.minimum(a, rc))
            hi = vsort(jnp.maximum(a, rc))
            hi = jnp.where(padmask, 0.0, hi)
            return lo, hi

        def sort_body(r, _):
            rlo, rhi = sort25(vals[pl.ds(r * 64, 16)],
                              vals[pl.ds(r * 64 + 16, 16)])
            clo, chi = sort25(vals[pl.ds(r * 64 + 32, 16)],
                              vals[pl.ds(r * 64 + 48, 16)])
            outbuf[pl.ds(r * _SP, 16)] = rlo
            outbuf[pl.ds(r * _SP + 16, 16)] = rhi
            outbuf[pl.ds(_G * _SP + r * _SP, 16)] = clo
            outbuf[pl.ds(_G * _SP + r * _SP + 16, 16)] = chi
            return 0

        lax.fori_loop(0, _G, sort_body, 0)
        pltpu.sync_copy(outbuf.at[pl.ds(0, _G * _SP)],
                        rows_hbm.at[pl.ds(r0 * _SP, _G * _SP)])
        pltpu.sync_copy(outbuf.at[pl.ds(_G * _SP, _G * _SP)],
                        cols_hbm.at[pl.ds(r0 * _SP, _G * _SP)])
        return 0

    lax.fori_loop(0, n_groups, group_body, 0)


def _sc_gather_sort(dist_flat, idx_flat, b, n):
    info = plsc.get_sparse_core_info()
    nc, ns = info.num_cores, info.num_subcores
    nw = nc * ns
    mesh = plsc.VectorSubcoreMesh(core_axis_name="c", subcore_axis_name="s")
    kern = functools.partial(
        pl.kernel,
        mesh=mesh,
        compiler_params=pltpu.CompilerParams(needs_layout_passes=False),
        out_type=[jax.ShapeDtypeStruct((b * n * _SP,), jnp.float32)] * 2,
        scratch_types=[
            pltpu.VMEM((_G * _SP,), jnp.int32),
            pltpu.VMEM((_G * 64,), jnp.int32),
            pltpu.VMEM((_G * 64,), jnp.float32),
            pltpu.VMEM((2 * _G * _SP,), jnp.float32),
            pltpu.SemaphoreType.DMA,
        ],
    )(functools.partial(_sc_body, b=b, n=n, nc=nc, nw=nw))
    return kern(dist_flat, idx_flat)


def _stage2_body(locs_ref, rows_ref, cols_ref, iwt_ref, rwt_ref, cwt_ref,
                 g1c_r_ref, g1d_r_ref, g1c_c_ref, g1d_c_ref, aux_ref,
                 b128_ref, outr_ref, outc_ref):
    f32 = jnp.float32
    aux = aux_ref[...]
    b128 = b128_ref[...]
    e = (jnp.dot(locs_ref[0], iwt_ref[...], preferred_element_type=f32)
         + b128[0:1, :])
    remb = (jnp.dot(rows_ref[0], rwt_ref[...], preferred_element_type=f32)
            + b128[1:2, :])
    cemb = (jnp.dot(cols_ref[0], cwt_ref[...], preferred_element_type=f32)
            + b128[2:3, :])

    def gate(feat, w1c, w1d, brow, wrow, b2row):
        h = jax.nn.relu(
            jnp.dot(e, w1c, preferred_element_type=f32)
            + jnp.dot(feat, w1d, preferred_element_type=f32)
            + aux[brow:brow + 1, :])
        gp = (jnp.sum(h * aux[wrow:wrow + 1, :], axis=1, keepdims=True)
              + aux[b2row:b2row + 1, 0:1])
        g = jax.nn.sigmoid(gp)
        return g * e + (1.0 - g) * feat

    outr_ref[0] = gate(remb, g1c_r_ref[...], g1d_r_ref[...], 0, 2, 4)
    outc_ref[0] = gate(cemb, g1c_c_ref[...], g1d_c_ref[...], 1, 3, 5)


def kernel(locs, distance_matrix, params):
    b, n, _ = locs.shape
    f32 = jnp.float32

    w = _w_const(b, n)

    rows_per_blk = _R if n % _R == 0 else n
    grid1 = (b, n // rows_per_blk)
    big_spec = pl.BlockSpec((1, rows_per_blk, n), lambda i, j: (i, j, 0))
    idx = pl.pallas_call(
        functools.partial(_stage1_body, rows_per_blk=rows_per_blk, n=n),
        grid=grid1,
        in_specs=[big_spec, big_spec],
        out_specs=pl.BlockSpec((1, rows_per_blk, _SP), lambda i, j: (i, j, 0)),
        out_shape=jax.ShapeDtypeStruct((b, n, _SP), jnp.int32),
    )(distance_matrix, w)

    rows_flat, cols_flat = _sc_gather_sort(
        distance_matrix.reshape(-1), idx.reshape(-1), b, n)
    rows_sorted = rows_flat.reshape(b, n, _SP)
    cols_sorted = cols_flat.reshape(b, n, _SP)

    locs_pad = jnp.pad(locs, ((0, 0), (0, 0), (0, 6)))
    iwt = jnp.pad(params['init_W'].T, ((0, 6), (0, 0)))
    rwt = jnp.pad(params['row_W'].T, ((0, _SP - _S), (0, 0)))
    cwt = jnp.pad(params['col_W'].T, ((0, _SP - _S), (0, 0)))
    g1_r = params['grow_W1'].T
    g1_c = params['gcol_W1'].T
    ed = g1_r.shape[0] // 2
    aux = jnp.zeros((8, 2 * ed), f32)
    aux = aux.at[0, :].set(params['grow_b1'])
    aux = aux.at[1, :].set(params['gcol_b1'])
    aux = aux.at[2, :].set(params['grow_W2'][0])
    aux = aux.at[3, :].set(params['gcol_W2'][0])
    aux = aux.at[4, :].set(params['grow_b2'][0])
    aux = aux.at[5, :].set(params['gcol_b2'][0])
    b128 = jnp.zeros((8, ed), f32)
    b128 = b128.at[0, :].set(params['init_b'])
    b128 = b128.at[1, :].set(params['row_b'])
    b128 = b128.at[2, :].set(params['col_b'])

    def wspec(shape):
        return pl.BlockSpec(shape, lambda i: (0,) * len(shape))

    outr, outc = pl.pallas_call(
        _stage2_body,
        grid=(b,),
        in_specs=[
            pl.BlockSpec((1, n, 8), lambda i: (i, 0, 0)),
            pl.BlockSpec((1, n, _SP), lambda i: (i, 0, 0)),
            pl.BlockSpec((1, n, _SP), lambda i: (i, 0, 0)),
            wspec((8, ed)), wspec((_SP, ed)), wspec((_SP, ed)),
            wspec((ed, 2 * ed)), wspec((ed, 2 * ed)),
            wspec((ed, 2 * ed)), wspec((ed, 2 * ed)),
            wspec((8, 2 * ed)), wspec((8, ed)),
        ],
        out_specs=[pl.BlockSpec((1, n, ed), lambda i: (i, 0, 0))] * 2,
        out_shape=[jax.ShapeDtypeStruct((b, n, ed), f32)] * 2,
    )(locs_pad, rows_sorted, cols_sorted, iwt, rwt, cwt,
      g1_r[:ed], g1_r[ed:], g1_c[:ed], g1_c[ed:], aux, b128)

    return (outr, outc, distance_matrix)

# --- scband reference (transcript-rebuilt; emitter-appended) ---
"""Pipeline reference for scband-atspinit-embedding-82291573391776 (READ-ONLY COPY).

The authoritative reference and input builder live on the scoring server;
editing this copy changes nothing except your own understanding.
"""

import jax, jax.numpy as jnp
import numpy as np

B, N, EMBED_DIM, SAMPLE_SIZE = 32, 1024, 128, 25


def _linear(x, W, b):
    return x @ W.T + b


def _gating(coord_feat, dist_feat, p, prefix):
    combined = jnp.concatenate([coord_feat, dist_feat], axis=-1)
    h = jax.nn.relu(_linear(combined, p[prefix + '_W1'], p[prefix + '_b1']))
    g = jax.nn.sigmoid(_linear(h, p[prefix + '_W2'], p[prefix + '_b2']))
    return g * coord_feat + (1.0 - g) * dist_feat


def setup_inputs(seed: int = 0) -> dict:
    key = jax.random.key(seed)
    ks = jax.random.split(key, 20)
    locs = jax.random.uniform(ks[0], (B, N, 2), dtype=jnp.float32)
    distance_matrix = jax.random.uniform(ks[1], (B, N, N), dtype=jnp.float32, minval=0.01, maxval=1.0)
    s = 0.02
    params = {
        'init_W': jax.random.normal(ks[2], (EMBED_DIM, 2), dtype=jnp.float32) * s,
        'init_b': jnp.zeros((EMBED_DIM,), dtype=jnp.float32),
        'row_W': jax.random.normal(ks[3], (EMBED_DIM, SAMPLE_SIZE), dtype=jnp.float32) * s,
        'row_b': jnp.zeros((EMBED_DIM,), dtype=jnp.float32),
        'col_W': jax.random.normal(ks[4], (EMBED_DIM, SAMPLE_SIZE), dtype=jnp.float32) * s,
        'col_b': jnp.zeros((EMBED_DIM,), dtype=jnp.float32),
        'grow_W1': jax.random.normal(ks[5], (2 * EMBED_DIM, 2 * EMBED_DIM), dtype=jnp.float32) * s,
        'grow_b1': jnp.zeros((2 * EMBED_DIM,), dtype=jnp.float32),
        'grow_W2': jax.random.normal(ks[6], (1, 2 * EMBED_DIM), dtype=jnp.float32) * s,
        'grow_b2': jnp.zeros((1,), dtype=jnp.float32),
        'gcol_W1': jax.random.normal(ks[7], (2 * EMBED_DIM, 2 * EMBED_DIM), dtype=jnp.float32) * s,
        'gcol_b1': jnp.zeros((2 * EMBED_DIM,), dtype=jnp.float32),
        'gcol_W2': jax.random.normal(ks[8], (1, 2 * EMBED_DIM), dtype=jnp.float32) * s,
        'gcol_b2': jnp.zeros((1,), dtype=jnp.float32),
    }
    return {'locs': locs, 'distance_matrix': distance_matrix, 'params': params}


def reference(locs, distance_matrix, params):
    b, n, _ = locs.shape
    # init coord embedding
    node_embeddings = _linear(locs, params['init_W'], params['init_b'])
    # prob sampling: mask diagonal, inverse-distance categorical, sample-without-replacement
    di = jnp.arange(n)
    processed = distance_matrix.at[:, di, di].set(1000000.0)
    inverse_distance = 1.0 / (processed + 1e-06)
    # multinomial without replacement == Gumbel top-k over log-probs
    gkey = jax.random.key(42)
    u = jax.random.uniform(gkey, (b, n, n), dtype=jnp.float32, minval=1e-10, maxval=1.0)
    gumbel = -jnp.log(-jnp.log(u))
    scores = jnp.log(inverse_distance) + gumbel
    _, sampled_indices = jax.lax.top_k(scores, SAMPLE_SIZE)  # [B, N, S] int32
    # gather row/col distances
    row_distance = jnp.take_along_axis(distance_matrix, sampled_indices, axis=2)
    col_distance = jnp.take_along_axis(jnp.swapaxes(distance_matrix, 1, 2), sampled_indices, axis=2)
    row_emb = _linear(jnp.sort(row_distance, axis=-1), params['row_W'], params['row_b'])
    col_emb = _linear(jnp.sort(col_distance, axis=-1), params['col_W'], params['col_b'])
    combined_row_emb = _gating(node_embeddings, row_emb, params, 'grow')
    combined_col_emb = _gating(node_embeddings, col_emb, params, 'gcol')
    return (combined_row_emb, combined_col_emb, distance_matrix)

if __name__ == "__main__":
    import jax
    _d = setup_inputs()
    print(jax.jit(kernel)(*tuple(_d.values())))

</pallas_src>

<mosaic_0001>
#map = affine_map<(d0, d1) -> (0)>
module attributes {stable_mosaic.version = 14 : i64} {
  func.func @_sc_body(%arg0: i32, %arg1: i32, %arg2: memref<33554432xf32, #tpu.memory_space<hbm>>, %arg3: memref<1048576xi32, #tpu.memory_space<hbm>>, %arg4: memref<1048576xf32, #tpu.memory_space<hbm>>, %arg5: memref<1048576xf32, #tpu.memory_space<hbm>>, %arg6: memref<2048xi32, #tpu.memory_space<vmem>>, %arg7: memref<4096xi32, #tpu.memory_space<vmem>>, %arg8: memref<4096xf32, #tpu.memory_space<vmem>>, %arg9: memref<4096xf32, #tpu.memory_space<vmem>>, %arg10: memref<!tpu.dma_semaphore, #tpu.memory_space<semaphore_mem>>) attributes {dimension_semantics = [#tpu.dimension_semantics<core_parallel>, #tpu.dimension_semantics<subcore_parallel>], iteration_bounds = array<i64: 2, 16>, scalar_prefetch = 0 : i64, scratch_operands = 5 : i64, tpu.core_type = #tpu.core_type<sc_vector_subcore>, window_params = [{transform_indices = #map}, {transform_indices = #map}, {transform_indices = #map}, {transform_indices = #map}]} {
    %mul3A = arith.constant 2 : i32
    %mul3A_0 = arith.muli %arg1, %mul3A : i32
    %add3A = arith.addi %mul3A_0, %arg0 : i32
    %iota3A = tpu.iota {dimensions = array<i32: 0>} : vector<16xi32>
    %ge3A = arith.constant 9 : i32
    %ge3A_1 = vector.broadcast %ge3A : i32 to vector<16xi32>
    %ge3A_2 = arith.cmpi sge, %iota3A, %ge3A_1 : vector<16xi32>
    %scan3A = arith.constant 0 : i32
    %scan3A_3 = arith.constant 0 : i32
    %scan3A_4 = arith.constant 16 : i32
    %scan3A_5 = arith.addi %scan3A_3, %scan3A_4 : i32
    %scan3A_6 = arith.constant 1 : i32
    %scan3A_7 = scf.for %scan3A_9 = %scan3A_3 to %scan3A_5 step %scan3A_6 iter_args(%scan3A_10 = %scan3A) -> (i32)  : i32 {
      %mul3A_11 = arith.constant 1024 : i32
      %mul3A_12 = arith.muli %add3A, %mul3A_11 : i32
      %mul3A_13 = arith.constant 64 : i32
      %mul3A_14 = arith.muli %scan3A_9, %mul3A_13 : i32
      %add3A_15 = arith.addi %mul3A_12, %mul3A_14 : i32
      %mul3A_16 = arith.constant 32 : i32
      %mul3A_17 = arith.muli %add3A_15, %mul3A_16 : i32
      "tpu.region"() ({
        %run_scoped3A = tpu.sem_alloc : memref<!tpu.dma_semaphore, #tpu.memory_space<semaphore_mem>>
        %dma_start3A_419 = tpu.memref_slice %arg3[%mul3A_17] : memref<1048576xi32, #tpu.memory_space<hbm>> -> memref<2048xi32, #tpu.memory_space<hbm>>
        %dma_start3A_420 = tpu.memref_slice %arg3[%mul3A_17] : memref<1048576xi32, #tpu.memory_space<hbm>> -> memref<2048xi32, #tpu.memory_space<hbm>>
        tpu.enqueue_dma source(%dma_start3A_420 : memref<2048xi32, #tpu.memory_space<hbm>>) target(%arg6 : memref<2048xi32, #tpu.memory_space<vmem>>) target_semaphore(%run_scoped3A : memref<!tpu.dma_semaphore, #tpu.memory_space<semaphore_mem>>)
        %dma_wait3A_421 = tpu.memref_slice %arg3[%mul3A_17] : memref<1048576xi32, #tpu.memory_space<hbm>> -> memref<2048xi32, #tpu.memory_space<hbm>>
        %dma_wait3A_422 = tpu.memref_slice %arg3[%mul3A_17] : memref<1048576xi32, #tpu.memory_space<hbm>> -> memref<2048xi32, #tpu.memory_space<hbm>>
        tpu.wait_dma2 semaphore(%run_scoped3A : memref<!tpu.dma_semaphore, #tpu.memory_space<semaphore_mem>>) src(%dma_wait3A_422 : memref<2048xi32, #tpu.memory_space<hbm>>) dst(%arg6 : memref<2048xi32, #tpu.memory_space<vmem>>)
        tpu.yield
      }) : () -> ()
      %scan3A_18 = arith.constant 0 : i32
      %scan3A_19 = arith.constant 0 : i32
      %scan3A_20 = arith.constant 64 : i32
      %scan3A_21 = arith.addi %scan3A_19, %scan3A_20 : i32
      %scan3A_22 = arith.constant 1 : i32
      %scan3A_23 = scf.for %scan3A_419 = %scan3A_19 to %scan3A_21 step %scan3A_22 iter_args(%scan3A_420 = %scan3A_18) -> (i32)  : i32 {
        %add3A_421 = arith.addi %add3A_15, %scan3A_419 : i32
        %jit3A = arith.constant 1024 : i32
        %div3A = arith.divsi %add3A_421, %jit3A : i32
        %sign3A = arith.constant 0 : i32
        %sign3A_422 = arith.cmpi sgt, %add3A_421, %sign3A : i32
        %sign3A_423 = arith.extui %sign3A_422 : i1 to i32
        %sign3A_424 = arith.constant 0 : i32
        %sign3A_425 = arith.cmpi slt, %add3A_421, %sign3A_424 : i32
        %sign3A_426 = arith.extui %sign3A_425 : i1 to i32
        %sign3A_427 = arith.subi %sign3A_423, %sign3A_426 : i32
        %sign3A_428 = arith.constant 0 : i32
        %sign3A_429 = arith.cmpi sgt, %jit3A, %sign3A_428 : i32
        %sign3A_430 = arith.extui %sign3A_429 : i1 to i32
        %sign3A_431 = arith.constant 0 : i32
        %sign3A_432 = arith.cmpi slt, %jit3A, %sign3A_431 : i32
        %sign3A_433 = arith.extui %sign3A_432 : i1 to i32
        %sign3A_434 = arith.subi %sign3A_430, %sign3A_433 : i32
        %ne3A = arith.cmpi ne, %sign3A_427, %sign3A_434 : i32
        %rem3A = arith.remsi %add3A_421, %jit3A : i32
        %ne3A_435 = arith.constant 0 : i32
        %ne3A_436 = arith.cmpi ne, %rem3A, %ne3A_435 : i32
        %and3A = arith.andi %ne3A, %ne3A_436 : i1
        %sub3A = arith.constant 1 : i32
        %sub3A_437 = arith.subi %div3A, %sub3A : i32
        %select_n3A = arith.select %and3A, %sub3A_437, %div3A : i32
        %mul3A_438 = arith.constant 1024 : i32
        %mul3A_439 = arith.muli %select_n3A, %mul3A_438 : i32
        %sub3A_440 = arith.subi %add3A_421, %mul3A_439 : i32
        %mul3A_441 = arith.constant 1024 : i32
        %mul3A_442 = arith.muli %select_n3A, %mul3A_441 : i32
        %mul3A_443 = arith.constant 1024 : i32
        %mul3A_444 = arith.muli %mul3A_442, %mul3A_443 : i32
        %mul3A_445 = arith.constant 1024 : i32
        %mul3A_446 = arith.muli %sub3A_440, %mul3A_445 : i32
        %add3A_447 = arith.addi %mul3A_444, %mul3A_446 : i32
        %mul3A_448 = arith.constant 1024 : i32
        %mul3A_449 = arith.muli %select_n3A, %mul3A_448 : i32
        %mul3A_450 = arith.constant 1024 : i32
        %mul3A_451 = arith.muli %mul3A_449, %mul3A_450 : i32
        %add3A_452 = arith.addi %mul3A_451, %sub3A_440 : i32
        %mul3A_453 = arith.constant 32 : i32
        %mul3A_454 = arith.muli %scan3A_419, %mul3A_453 : i32
        %get3A = arith.index_cast %mul3A_454 : i32 to index
        %get3A_455 = tpu.vector_load %arg6[%get3A] {strides = array<i32>} : memref<2048xi32, #tpu.memory_space<vmem>>, vector<16xi32>,
        %mul3A_456 = arith.constant 32 : i32
        %mul3A_457 = arith.muli %scan3A_419, %mul3A_456 : i32
        %add3A_458 = arith.constant 16 : i32
        %add3A_459 = arith.addi %mul3A_457, %add3A_458 : i32
        %get3A_460 = arith.index_cast %add3A_459 : i32 to index
        %get3A_461 = tpu.vector_load %arg6[%get3A_460] {strides = array<i32>} : memref<2048xi32, #tpu.memory_space<vmem>>, vector<16xi32>,
        %add3A_462 = vector.broadcast %add3A_447 : i32 to vector<16xi32>
        %add3A_463 = arith.addi %add3A_462, %get3A_455 : vector<16xi32>
        %mul3A_464 = arith.constant 64 : i32
        %mul3A_465 = arith.muli %scan3A_419, %mul3A_464 : i32
        %swap3A = arith.index_cast %mul3A_465 : i32 to index
        %swap3A_466 = tpu.vector_load %arg7[%swap3A] {strides = array<i32>} : memref<4096xi32, #tpu.memory_space<vmem>>, vector<16xi32>,
        tpu.vector_store %arg7[%swap3A], %add3A_463 {strides = array<i32>} : memref<4096xi32, #tpu.memory_space<vmem>>, vector<16xi32>,
        %add3A_467 = vector.broadcast %add3A_447 : i32 to vector<16xi32>
        %add3A_468 = arith.addi %add3A_467, %get3A_461 : vector<16xi32>
        %mul3A_469 = arith.constant 64 : i32
        %mul3A_470 = arith.muli %scan3A_419, %mul3A_469 : i32
        %add3A_471 = arith.constant 16 : i32
        %add3A_472 = arith.addi %mul3A_470, %add3A_471 : i32
        %swap3A_473 = arith.index_cast %add3A_472 : i32 to index
        %swap3A_474 = tpu.vector_load %arg7[%swap3A_473] {strides = array<i32>} : memref<4096xi32, #tpu.memory_space<vmem>>, vector<16xi32>,
        tpu.vector_store %arg7[%swap3A_473], %add3A_468 {strides = array<i32>} : memref<4096xi32, #tpu.memory_space<vmem>>, vector<16xi32>,
        %mul3A_475 = arith.constant 1024 : i32
        %mul3A_476 = vector.broadcast %mul3A_475 : i32 to vector<16xi32>
        %mul3A_477 = arith.muli %get3A_455, %mul3A_476 : vector<16xi32>
        %add3A_478 = vector.broadcast %add3A_452 : i32 to vector<16xi32>
        %add3A_479 = arith.addi %mul3A_477, %add3A_478 : vector<16xi32>
        %mul3A_480 = arith.constant 64 : i32
        %mul3A_481 = arith.muli %scan3A_419, %mul3A_480 : i32
        %add3A_482 = arith.constant 32 : i32
        %add3A_483 = arith.addi %mul3A_481, %add3A_482 : i32
        %swap3A_484 = arith.index_cast %add3A_483 : i32 to index
        %swap3A_485 = tpu.vector_load %arg7[%swap3A_484] {strides = array<i32>} : memref<4096xi32, #tpu.memory_space<vmem>>, vector<16xi32>,
        tpu.vector_store %arg7[%swap3A_484], %add3A_479 {strides = array<i32>} : memref<4096xi32, #tpu.memory_space<vmem>>, vector<16xi32>,
        %mul3A_486 = arith.constant 1024 : i32
        %mul3A_487 = vector.broadcast %mul3A_486 : i32 to vector<16xi32>
        %mul3A_488 = arith.muli %get3A_461, %mul3A_487 : vector<16xi32>
        %add3A_489 = vector.broadcast %add3A_452 : i32 to vector<16xi32>
        %add3A_490 = arith.addi %mul3A_488, %add3A_489 : vector<16xi32>
        %mul3A_491 = arith.constant 64 : i32
        %mul3A_492 = arith.muli %scan3A_419, %mul3A_491 : i32
        %add3A_493 = arith.constant 48 : i32
        %add3A_494 = arith.addi %mul3A_492, %add3A_493 : i32
        %swap3A_495 = arith.index_cast %add3A_494 : i32 to index
        %swap3A_496 = tpu.vector_load %arg7[%swap3A_495] {strides = array<i32>} : memref<4096xi32, #tpu.memory_space<vmem>>, vector<16xi32>,
        tpu.vector_store %arg7[%swap3A_495], %add3A_490 {strides = array<i32>} : memref<4096xi32, #tpu.memory_space<vmem>>, vector<16xi32>,
        %scan3A_497 = arith.constant 0 : i32
        scf.yield %scan3A_497 : i32
      }
      %scan3A_24 = arith.constant 64 : i32
      %dma_start3A = arith.constant 0 : i32
      %dma_start3A_25 = tpu.memref_slice %arg8[%dma_start3A] : memref<4096xf32, #tpu.memory_space<vmem>> -> memref<128xf32, #tpu.memory_space<vmem>>
      %dma_start3A_26 = arith.constant 0 : i32
      %dma_start3A_27 = tpu.memref_slice %arg7[%dma_start3A_26] : memref<4096xi32, #tpu.memory_space<vmem>> -> memref<128xi32, #tpu.memory_space<vmem>>
      %dma_start3A_28 = arith.constant 0 : i32
      %dma_start3A_29 = tpu.memref_slice %arg2[%dma_start3A_28] : memref<33554432xf32, #tpu.memory_space<hbm>> -> memref<33554432xf32, #tpu.memory_space<hbm>>
      tpu.enqueue_indirect_dma source(%dma_start3A_29 : memref<33554432xf32, #tpu.memory_space<hbm>>) target(%dma_start3A_25 : memref<128xf32, #tpu.memory_space<vmem>>) offsets(%dma_start3A_27 : memref<128xi32, #tpu.memory_space<vmem>>) semaphore(%arg10 : memref<!tpu.dma_semaphore, #tpu.memory_space<semaphore_mem>>)
      %dma_start3A_30 = arith.constant 128 : i32
      %dma_start3A_31 = tpu.memref_slice %arg8[%dma_start3A_30] : memref<4096xf32, #tpu.memory_space<vmem>> -> memref<128xf32, #tpu.memory_space<vmem>>
      %dma_start3A_32 = arith.constant 128 : i32
      %dma_start3A_33 = tpu.memref_slice %arg7[%dma_start3A_32] : memref<4096xi32, #tpu.memory_space<vmem>> -> memref<128xi32, #tpu.memory_space<vmem>>
      %dma_start3A_34 = arith.constant 0 : i32
      %dma_start3A_35 = tpu.memref_slice %arg2[%dma_start3A_34] : memref<33554432xf32, #tpu.memory_space<hbm>> -> memref<33554432xf32, #tpu.memory_space<hbm>>
      tpu.enqueue_indirect_dma source(%dma_start3A_35 : memref<33554432xf32, #tpu.memory_space<hbm>>) target(%dma_start3A_31 : memref<128xf32, #tpu.memory_space<vmem>>) offsets(%dma_start3A_33 : memref<128xi32, #tpu.memory_space<vmem>>) semaphore(%arg10 : memref<!tpu.dma_semaphore, #tpu.memory_space<semaphore_mem>>)
      %dma_start3A_36 = arith.constant 256 : i32
      %dma_start3A_37 = tpu.memref_slice %arg8[%dma_start3A_36] : memref<4096xf32, #tpu.memory_space<vmem>> -> memref<128xf32, #tpu.memory_space<vmem>>
      %dma_start3A_38 = arith.constant 256 : i32
      %dma_start3A_39 = tpu.memref_slice %arg7[%dma_start3A_38] : memref<4096xi32, #tpu.memory_space<vmem>> -> memref<128xi32, #tpu.memory_space<vmem>>
      %dma_start3A_40 = arith.constant 0 : i32
      %dma_start3A_41 = tpu.memref_slice %arg2[%dma_start3A_40] : memref<33554432xf32, #tpu.memory_space<hbm>> -> memref<33554432xf32, #tpu.memory_space<hbm>>
      tpu.enqueue_indirect_dma source(%dma_start3A_41 : memref<33554432xf32, #tpu.memory_space<hbm>>) target(%dma_start3A_37 : memref<128xf32, #tpu.memory_space<vmem>>) offsets(%dma_start3A_39 : memref<128xi32, #tpu.memory_space<vmem>>) semaphore(%arg10 : memref<!tpu.dma_semaphore, #tpu.memory_space<semaphore_mem>>)
      %dma_start3A_42 = arith.constant 384 : i32
      %dma_start3A_43 = tpu.memref_slice %arg8[%dma_start3A_42] : memref<4096xf32, #tpu.memory_space<vmem>> -> memref<128xf32, #tpu.memory_space<vmem>>
      %dma_start3A_44 = arith.constant 384 : i32
      %dma_start3A_45 = tpu.memref_slice %arg7[%dma_start3A_44] : memref<4096xi32, #tpu.memory_space<vmem>> -> memref<128xi32, #tpu.memory_space<vmem>>
      %dma_start3A_46 = arith.constant 0 : i32
      %dma_start3A_47 = tpu.memref_slice %arg2[%dma_start3A_46] : memref<33554432xf32, #tpu.memory_space<hbm>> -> memref<33554432xf32, #tpu.memory_space<hbm>>
      tpu.enqueue_indirect_dma source(%dma_start3A_47 : memref<33554432xf32, #tpu.memory_space<hbm>>) target(%dma_start3A_43 : memref<128xf32, #tpu.memory_space<vmem>>) offsets(%dma_start3A_45 : memref<128xi32, #tpu.memory_space<vmem>>) semaphore(%arg10 : memref<!tpu.dma_semaphore, #tpu.memory_space<semaphore_mem>>)
      %dma_start3A_48 = arith.constant 512 : i32
      %dma_start3A_49 = tpu.memref_slice %arg8[%dma_start3A_48] : memref<4096xf32, #tpu.memory_space<vmem>> -> memref<128xf32, #tpu.memory_space<vmem>>
      %dma_start3A_50 = arith.constant 512 : i32
      %dma_start3A_51 = tpu.memref_slice %arg7[%dma_start3A_50] : memref<4096xi32, #tpu.memory_space<vmem>> -> memref<128xi32, #tpu.memory_space<vmem>>
      %dma_start3A_52 = arith.constant 0 : i32
      %dma_start3A_53 = tpu.memref_slice %arg2[%dma_start3A_52] : memref<33554432xf32, #tpu.memory_space<hbm>> -> memref<33554432xf32, #tpu.memory_space<hbm>>
      tpu.enqueue_indirect_dma source(%dma_start3A_53 : memref<33554432xf32, #tpu.memory_space<hbm>>) target(%dma_start3A_49 : memref<128xf32, #tpu.memory_space<vmem>>) offsets(%dma_start3A_51 : memref<128xi32, #tpu.memory_space<vmem>>) semaphore(%arg10 : memref<!tpu.dma_semaphore, #tpu.memory_space<semaphore_mem>>)
      %dma_start3A_54 = arith.constant 640 : i32
      %dma_start3A_55 = tpu.memref_slice %arg8[%dma_start3A_54] : memref<4096xf32, #tpu.memory_space<vmem>> -> memref<128xf32, #tpu.memory_space<vmem>>
      %dma_start3A_56 = arith.constant 640 : i32
      %dma_start3A_57 = tpu.memref_slice %arg7[%dma_start3A_56] : memref<4096xi32, #tpu.memory_space<vmem>> -> memref<128xi32, #tpu.memory_space<vmem>>
      %dma_start3A_58 = arith.constant 0 : i32
      %dma_start3A_59 = tpu.memref_slice %arg2[%dma_start3A_58] : memref<33554432xf32, #tpu.memory_space<hbm>> -> memref<33554432xf32, #tpu.memory_space<hbm>>
      tpu.enqueue_indirect_dma source(%dma_start3A_59 : memref<33554432xf32, #tpu.memory_space<hbm>>) target(%dma_start3A_55 : memref<128xf32, #tpu.memory_space<vmem>>) offsets(%dma_start3A_57 : memref<128xi32, #tpu.memory_space<vmem>>) semaphore(%arg10 : memref<!tpu.dma_semaphore, #tpu.memory_space<semaphore_mem>>)
      %dma_start3A_60 = arith.constant 768 : i32
      %dma_start3A_61 = tpu.memref_slice %arg8[%dma_start3A_60] : memref<4096xf32, #tpu.memory_space<vmem>> -> memref<128xf32, #tpu.memory_space<vmem>>
      %dma_start3A_62 = arith.constant 768 : i32
      %dma_start3A_63 = tpu.memref_slice %arg7[%dma_start3A_62] : memref<4096xi32, #tpu.memory_space<vmem>> -> memref<128xi32, #tpu.memory_space<vmem>>
      %dma_start3A_64 = arith.constant 0 : i32
      %dma_start3A_65 = tpu.memref_slice %arg2[%dma_start3A_64] : memref<33554432xf32, #tpu.memory_space<hbm>> -> memref<33554432xf32, #tpu.memory_space<hbm>>
      tpu.enqueue_indirect_dma source(%dma_start3A_65 : memref<33554432xf32, #tpu.memory_space<hbm>>) target(%dma_start3A_61 : memref<128xf32, #tpu.memory_space<vmem>>) offsets(%dma_start3A_63 : memref<128xi32, #tpu.memory_space<vmem>>) semaphore(%arg10 : memref<!tpu.dma_semaphore, #tpu.memory_space<semaphore_mem>>)
      %dma_start3A_66 = arith.constant 896 : i32
      %dma_start3A_67 = tpu.memref_slice %arg8[%dma_start3A_66] : memref<4096xf32, #tpu.memory_space<vmem>> -> memref<128xf32, #tpu.memory_space<vmem>>
      %dma_start3A_68 = arith.constant 896 : i32
      %dma_start3A_69 = tpu.memref_slice %arg7[%dma_start3A_68] : memref<4096xi32, #tpu.memory_space<vmem>> -> memref<128xi32, #tpu.memory_space<vmem>>
      %dma_start3A_70 = arith.constant 0 : i32
      %dma_start3A_71 = tpu.memref_slice %arg2[%dma_start3A_70] : memref<33554432xf32, #tpu.memory_space<hbm>> -> memref<33554432xf32, #tpu.memory_space<hbm>>
      tpu.enqueue_indirect_dma source(%dma_start3A_71 : memref<33554432xf32, #tpu.memory_space<hbm>>) target(%dma_start3A_67 : memref<128xf32, #tpu.memory_space<vmem>>) offsets(%dma_start3A_69 : memref<128xi32, #tpu.memory_space<vmem>>) semaphore(%arg10 : memref<!tpu.dma_semaphore, #tpu.memory_space<semaphore_mem>>)
      %dma_start3A_72 = arith.constant 1024 : i32
      %dma_start3A_73 = tpu.memref_slice %arg8[%dma_start3A_72] : memref<4096xf32, #tpu.memory_space<vmem>> -> memref<128xf32, #tpu.memory_space<vmem>>
      %dma_start3A_74 = arith.constant 1024 : i32
      %dma_start3A_75 = tpu.memref_slice %arg7[%dma_start3A_74] : memref<4096xi32, #tpu.memory_space<vmem>> -> memref<128xi32, #tpu.memory_space<vmem>>
      %dma_start3A_76 = arith.constant 0 : i32
      %dma_start3A_77 = tpu.memref_slice %arg2[%dma_start3A_76] : memref<33554432xf32, #tpu.memory_space<hbm>> -> memref<33554432xf32, #tpu.memory_space<hbm>>
      tpu.enqueue_indirect_dma source(%dma_start3A_77 : memref<33554432xf32, #tpu.memory_space<hbm>>) target(%dma_start3A_73 : memref<128xf32, #tpu.memory_space<vmem>>) offsets(%dma_start3A_75 : memref<128xi32, #tpu.memory_space<vmem>>) semaphore(%arg10 : memref<!tpu.dma_semaphore, #tpu.memory_space<semaphore_mem>>)
      %dma_start3A_78 = arith.constant 1152 : i32
      %dma_start3A_79 = tpu.memref_slice %arg8[%dma_start3A_78] : memref<4096xf32, #tpu.memory_space<vmem>> -> memref<128xf32, #tpu.memory_space<vmem>>
      %dma_start3A_80 = arith.constant 1152 : i32
      %dma_start3A_81 = tpu.memref_slice %arg7[%dma_start3A_80] : memref<4096xi32, #tpu.memory_space<vmem>> -> memref<128xi32, #tpu.memory_space<vmem>>
      %dma_start3A_82 = arith.constant 0 : i32
      %dma_start3A_83 = tpu.memref_slice %arg2[%dma_start3A_82] : memref<33554432xf32, #tpu.memory_space<hbm>> -> memref<33554432xf32, #tpu.memory_space<hbm>>
      tpu.enqueue_indirect_dma source(%dma_start3A_83 : memref<33554432xf32, #tpu.memory_space<hbm>>) target(%dma_start3A_79 : memref<128xf32, #tpu.memory_space<vmem>>) offsets(%dma_start3A_81 : memref<128xi32, #tpu.memory_space<vmem>>) semaphore(%arg10 : memref<!tpu.dma_semaphore, #tpu.memory_space<semaphore_mem>>)
      %dma_start3A_84 = arith.constant 1280 : i32
      %dma_start3A_85 = tpu.memref_slice %arg8[%dma_start3A_84] : memref<4096xf32, #tpu.memory_space<vmem>> -> memref<128xf32, #tpu.memory_space<vmem>>
      %dma_start3A_86 = arith.constant 1280 : i32
      %dma_start3A_87 = tpu.memref_slice %arg7[%dma_start3A_86] : memref<4096xi32, #tpu.memory_space<vmem>> -> memref<128xi32, #tpu.memory_space<vmem>>
      %dma_start3A_88 = arith.constant 0 : i32
      %dma_start3A_89 = tpu.memref_slice %arg2[%dma_start3A_88] : memref<33554432xf32, #tpu.memory_space<hbm>> -> memref<33554432xf32, #tpu.memory_space<hbm>>
      tpu.enqueue_indirect_dma source(%dma_start3A_89 : memref<33554432xf32, #tpu.memory_space<hbm>>) target(%dma_start3A_85 : memref<128xf32, #tpu.memory_space<vmem>>) offsets(%dma_start3A_87 : memref<128xi32, #tpu.memory_space<vmem>>) semaphore(%arg10 : memref<!tpu.dma_semaphore, #tpu.memory_space<semaphore_mem>>)
      %dma_start3A_90 = arith.constant 1408 : i32
      %dma_start3A_91 = tpu.memref_slice %arg8[%dma_start3A_90] : memref<4096xf32, #tpu.memory_space<vmem>> -> memref<128xf32, #tpu.memory_space<vmem>>
      %dma_start3A_92 = arith.constant 1408 : i32
      %dma_start3A_93 = tpu.memref_slice %arg7[%dma_start3A_92] : memref<4096xi32, #tpu.memory_space<vmem>> -> memref<128xi32, #tpu.memory_space<vmem>>
      %dma_start3A_94 = arith.constant 0 : i32
      %dma_start3A_95 = tpu.memref_slice %arg2[%dma_start3A_94] : memref<33554432xf32, #tpu.memory_space<hbm>> -> memref<33554432xf32, #tpu.memory_space<hbm>>
      tpu.enqueue_indirect_dma source(%dma_start3A_95 : memref<33554432xf32, #tpu.memory_space<hbm>>) target(%dma_start3A_91 : memref<128xf32, #tpu.memory_space<vmem>>) offsets(%dma_start3A_93 : memref<128xi32, #tpu.memory_space<vmem>>) semaphore(%arg10 : memref<!tpu.dma_semaphore, #tpu.memory_space<semaphore_mem>>)
      %dma_start3A_96 = arith.constant 1536 : i32
      %dma_start3A_97 = tpu.memref_slice %arg8[%dma_start3A_96] : memref<4096xf32, #tpu.memory_space<vmem>> -> memref<128xf32, #tpu.memory_space<vmem>>
      %dma_start3A_98 = arith.constant 1536 : i32
      %dma_start3A_99 = tpu.memref_slice %arg7[%dma_start3A_98] : memref<4096xi32, #tpu.memory_space<vmem>> -> memref<128xi32, #tpu.memory_space<vmem>>
      %dma_start3A_100 = arith.constant 0 : i32
      %dma_start3A_101 = tpu.memref_slice %arg2[%dma_start3A_100] : memref<33554432xf32, #tpu.memory_space<hbm>> -> memref<33554432xf32, #tpu.memory_space<hbm>>
      tpu.enqueue_indirect_dma source(%dma_start3A_101 : memref<33554432xf32, #tpu.memory_space<hbm>>) target(%dma_start3A_97 : memref<128xf32, #tpu.memory_space<vmem>>) offsets(%dma_start3A_99 : memref<128xi32, #tpu.memory_space<vmem>>) semaphore(%arg10 : memref<!tpu.dma_semaphore, #tpu.memory_space<semaphore_mem>>)
      %dma_start3A_102 = arith.constant 1664 : i32
      %dma_start3A_103 = tpu.memref_slice %arg8[%dma_start3A_102] : memref<4096xf32, #tpu.memory_space<vmem>> -> memref<128xf32, #tpu.memory_space<vmem>>
      %dma_start3A_104 = arith.constant 1664 : i32
      %dma_start3A_105 = tpu.memref_slice %arg7[%dma_start3A_104] : memref<4096xi32, #tpu.memory_space<vmem>> -> memref<128xi32, #tpu.memory_space<vmem>>
      %dma_start3A_106 = arith.constant 0 : i32
      %dma_start3A_107 = tpu.memref_slice %arg2[%dma_start3A_106] : memref<33554432xf32, #tpu.memory_space<hbm>> -> memref<33554432xf32, #tpu.memory_space<hbm>>
      tpu.enqueue_indirect_dma source(%dma_start3A_107 : memref<33554432xf32, #tpu.memory_space<hbm>>) target(%dma_start3A_103 : memref<128xf32, #tpu.memory_space<vmem>>) offsets(%dma_start3A_105 : memref<128xi32, #tpu.memory_space<vmem>>) semaphore(%arg10 : memref<!tpu.dma_semaphore, #tpu.memory_space<semaphore_mem>>)
      %dma_start3A_108 = arith.constant 1792 : i32
      %dma_start3A_109 = tpu.memref_slice %arg8[%dma_start3A_108] : memref<4096xf32, #tpu.memory_space<vmem>> -> memref<128xf32, #tpu.memory_space<vmem>>
      %dma_start3A_110 = arith.constant 1792 : i32
      %dma_start3A_111 = tpu.memref_slice %arg7[%dma_start3A_110] : memref<4096xi32, #tpu.memory_space<vmem>> -> memref<128xi32, #tpu.memory_space<vmem>>
      %dma_start3A_112 = arith.constant 0 : i32
      %dma_start3A_113 = tpu.memref_slice %arg2[%dma_start3A_112] : memref<33554432xf32, #tpu.memory_space<hbm>> -> memref<33554432xf32, #tpu.memory_space<hbm>>
      tpu.enqueue_indirect_dma source(%dma_start3A_113 : memref<33554432xf32, #tpu.memory_space<hbm>>) target(%dma_start3A_109 : memref<128xf32, #tpu.memory_space<vmem>>) offsets(%dma_start3A_111 : memref<128xi32, #tpu.memory_space<vmem>>) semaphore(%arg10 : memref<!tpu.dma_semaphore, #tpu.memory_space<semaphore_mem>>)
      %dma_start3A_114 = arith.constant 1920 : i32
      %dma_start3A_115 = tpu.memref_slice %arg8[%dma_start3A_114] : memref<4096xf32, #tpu.memory_space<vmem>> -> memref<128xf32, #tpu.memory_space<vmem>>
      %dma_start3A_116 = arith.constant 1920 : i32
      %dma_start3A_117 = tpu.memref_slice %arg7[%dma_start3A_116] : memref<4096xi32, #tpu.memory_space<vmem>> -> memref<128xi32, #tpu.memory_space<vmem>>
      %dma_start3A_118 = arith.constant 0 : i32
      %dma_start3A_119 = tpu.memref_slice %arg2[%dma_start3A_118] : memref<33554432xf32, #tpu.memory_space<hbm>> -> memref<33554432xf32, #tpu.memory_space<hbm>>
      tpu.enqueue_indirect_dma source(%dma_start3A_119 : memref<33554432xf32, #tpu.memory_space<hbm>>) target(%dma_start3A_115 : memref<128xf32, #tpu.memory_space<vmem>>) offsets(%dma_start3A_117 : memref<128xi32, #tpu.memory_space<vmem>>) semaphore(%arg10 : memref<!tpu.dma_semaphore, #tpu.memory_space<semaphore_mem>>)
      %dma_start3A_120 = arith.constant 2048 : i32
      %dma_start3A_121 = tpu.memref_slice %arg8[%dma_start3A_120] : memref<4096xf32, #tpu.memory_space<vmem>> -> memref<128xf32, #tpu.memory_space<vmem>>
      %dma_start3A_122 = arith.constant 2048 : i32
      %dma_start3A_123 = tpu.memref_slice %arg7[%dma_start3A_122] : memref<4096xi32, #tpu.memory_space<vmem>> -> memref<128xi32, #tpu.memory_space<vmem>>
      %dma_start3A_124 = arith.constant 0 : i32
      %dma_start3A_125 = tpu.memref_slice %arg2[%dma_start3A_124] : memref<33554432xf32, #tpu.memory_space<hbm>> -> memref<33554432xf32, #tpu.memory_space<hbm>>
      tpu.enqueue_indirect_dma source(%dma_start3A_125 : memref<33554432xf32, #tpu.memory_space<hbm>>) target(%dma_start3A_121 : memref<128xf32, #tpu.memory_space<vmem>>) offsets(%dma_start3A_123 : memref<128xi32, #tpu.memory_space<vmem>>) semaphore(%arg10 : memref<!tpu.dma_semaphore, #tpu.memory_space<semaphore_mem>>)
      %dma_start3A_126 = arith.constant 2176 : i32
      %dma_start3A_127 = tpu.memref_slice %arg8[%dma_start3A_126] : memref<4096xf32, #tpu.memory_space<vmem>> -> memref<128xf32, #tpu.memory_space<vmem>>
      %dma_start3A_128 = arith.constant 2176 : i32
      %dma_start3A_129 = tpu.memref_slice %arg7[%dma_start3A_128] : memref<4096xi32, #tpu.memory_space<vmem>> -> memref<128xi32, #tpu.memory_space<vmem>>
      %dma_start3A_130 = arith.constant 0 : i32
      %dma_start3A_131 = tpu.memref_slice %arg2[%dma_start3A_130] : memref<33554432xf32, #tpu.memory_space<hbm>> -> memref<33554432xf32, #tpu.memory_space<hbm>>
      tpu.enqueue_indirect_dma source(%dma_start3A_131 : memref<33554432xf32, #tpu.memory_space<hbm>>) target(%dma_start3A_127 : memref<128xf32, #tpu.memory_space<vmem>>) offsets(%dma_start3A_129 : memref<128xi32, #tpu.memory_space<vmem>>) semaphore(%arg10 : memref<!tpu.dma_semaphore, #tpu.memory_space<semaphore_mem>>)
      %dma_start3A_132 = arith.constant 2304 : i32
      %dma_start3A_133 = tpu.memref_slice %arg8[%dma_start3A_132] : memref<4096xf32, #tpu.memory_space<vmem>> -> memref<128xf32, #tpu.memory_space<vmem>>
      %dma_start3A_134 = arith.constant 2304 : i32
      %dma_start3A_135 = tpu.memref_slice %arg7[%dma_start3A_134] : memref<4096xi32, #tpu.memory_space<vmem>> -> memref<128xi32, #tpu.memory_space<vmem>>
      %dma_start3A_136 = arith.constant 0 : i32
      %dma_start3A_137 = tpu.memref_slice %arg2[%dma_start3A_136] : memref<33554432xf32, #tpu.memory_space<hbm>> -> memref<33554432xf32, #tpu.memory_space<hbm>>
      tpu.enqueue_indirect_dma source(%dma_start3A_137 : memref<33554432xf32, #tpu.memory_space<hbm>>) target(%dma_start3A_133 : memref<128xf32, #tpu.memory_space<vmem>>) offsets(%dma_start3A_135 : memref<128xi32, #tpu.memory_space<vmem>>) semaphore(%arg10 : memref<!tpu.dma_semaphore, #tpu.memory_space<semaphore_mem>>)
      %dma_start3A_138 = arith.constant 2432 : i32
      %dma_start3A_139 = tpu.memref_slice %arg8[%dma_start3A_138] : memref<4096xf32, #tpu.memory_space<vmem>> -> memref<128xf32, #tpu.memory_space<vmem>>
      %dma_start3A_140 = arith.constant 2432 : i32
      %dma_start3A_141 = tpu.memref_slice %arg7[%dma_start3A_140] : memref<4096xi32, #tpu.memory_space<vmem>> -> memref<128xi32, #tpu.memory_space<vmem>>
      %dma_start3A_142 = arith.constant 0 : i32
      %dma_start3A_143 = tpu.memref_slice %arg2[%dma_start3A_142] : memref<33554432xf32, #tpu.memory_space<hbm>> -> memref<33554432xf32, #tpu.memory_space<hbm>>
      tpu.enqueue_indirect_dma source(%dma_start3A_143 : memref<33554432xf32, #tpu.memory_space<hbm>>) target(%dma_start3A_139 : memref<128xf32, #tpu.memory_space<vmem>>) offsets(%dma_start3A_141 : memref<128xi32, #tpu.memory_space<vmem>>) semaphore(%arg10 : memref<!tpu.dma_semaphore, #tpu.memory_space<semaphore_mem>>)
      %dma_start3A_144 = arith.constant 2560 : i32
      %dma_start3A_145 = tpu.memref_slice %arg8[%dma_start3A_144] : memref<4096xf32, #tpu.memory_space<vmem>> -> memref<128xf32, #tpu.memory_space<vmem>>
      %dma_start3A_146 = arith.constant 2560 : i32
      %dma_start3A_147 = tpu.memref_slice %arg7[%dma_start3A_146] : memref<4096xi32, #tpu.memory_space<vmem>> -> memref<128xi32, #tpu.memory_space<vmem>>
      %dma_start3A_148 = arith.constant 0 : i32
      %dma_start3A_149 = tpu.memref_slice %arg2[%dma_start3A_148] : memref<33554432xf32, #tpu.memory_space<hbm>> -> memref<33554432xf32, #tpu.memory_space<hbm>>
      tpu.enqueue_indirect_dma source(%dma_start3A_149 : memref<33554432xf32, #tpu.memory_space<hbm>>) target(%dma_start3A_145 : memref<128xf32, #tpu.memory_space<vmem>>) offsets(%dma_start3A_147 : memref<128xi32, #tpu.memory_space<vmem>>) semaphore(%arg10 : memref<!tpu.dma_semaphore, #tpu.memory_space<semaphore_mem>>)
      %dma_start3A_150 = arith.constant 2688 : i32
      %dma_start3A_151 = tpu.memref_slice %arg8[%dma_start3A_150] : memref<4096xf32, #tpu.memory_space<vmem>> -> memref<128xf32, #tpu.memory_space<vmem>>
      %dma_start3A_152 = arith.constant 2688 : i32
      %dma_start3A_153 = tpu.memref_slice %arg7[%dma_start3A_152] : memref<4096xi32, #tpu.memory_space<vmem>> -> memref<128xi32, #tpu.memory_space<vmem>>
      %dma_start3A_154 = arith.constant 0 : i32
      %dma_start3A_155 = tpu.memref_slice %arg2[%dma_start3A_154] : memref<33554432xf32, #tpu.memory_space<hbm>> -> memref<33554432xf32, #tpu.memory_space<hbm>>
      tpu.enqueue_indirect_dma source(%dma_start3A_155 : memref<33554432xf32, #tpu.memory_space<hbm>>) target(%dma_start3A_151 : memref<128xf32, #tpu.memory_space<vmem>>) offsets(%dma_start3A_153 : memref<128xi32, #tpu.memory_space<vmem>>) semaphore(%arg10 : memref<!tpu.dma_semaphore, #tpu.memory_space<semaphore_mem>>)
      %dma_start3A_156 = arith.constant 2816 : i32
      %dma_start3A_157 = tpu.memref_slice %arg8[%dma_start3A_156] : memref<4096xf32, #tpu.memory_space<vmem>> -> memref<128xf32, #tpu.memory_space<vmem>>
      %dma_start3A_158 = arith.constant 2816 : i32
      %dma_start3A_159 = tpu.memref_slice %arg7[%dma_start3A_158] : memref<4096xi32, #tpu.memory_space<vmem>> -> memref<128xi32, #tpu.memory_space<vmem>>
      %dma_start3A_160 = arith.constant 0 : i32
      %dma_start3A_161 = tpu.memref_slice %arg2[%dma_start3A_160] : memref<33554432xf32, #tpu.memory_space<hbm>> -> memref<33554432xf32, #tpu.memory_space<hbm>>
      tpu.enqueue_indirect_dma source(%dma_start3A_161 : memref<33554432xf32, #tpu.memory_space<hbm>>) target(%dma_start3A_157 : memref<128xf32, #tpu.memory_space<vmem>>) offsets(%dma_start3A_159 : memref<128xi32, #tpu.memory_space<vmem>>) semaphore(%arg10 : memref<!tpu.dma_semaphore, #tpu.memory_space<semaphore_mem>>)
      %dma_start3A_162 = arith.constant 2944 : i32
      %dma_start3A_163 = tpu.memref_slice %arg8[%dma_start3A_162] : memref<4096xf32, #tpu.memory_space<vmem>> -> memref<128xf32, #tpu.memory_space<vmem>>
      %dma_start3A_164 = arith.constant 2944 : i32
      %dma_start3A_165 = tpu.memref_slice %arg7[%dma_start3A_164] : memref<4096xi32, #tpu.memory_space<vmem>> -> memref<128xi32, #tpu.memory_space<vmem>>
      %dma_start3A_166 = arith.constant 0 : i32
      %dma_start3A_167 = tpu.memref_slice %arg2[%dma_start3A_166] : memref<33554432xf32, #tpu.memory_space<hbm>> -> memref<33554432xf32, #tpu.memory_space<hbm>>
      tpu.enqueue_indirect_dma source(%dma_start3A_167 : memref<33554432xf32, #tpu.memory_space<hbm>>) target(%dma_start3A_163 : memref<128xf32, #tpu.memory_space<vmem>>) offsets(%dma_start3A_165 : memref<128xi32, #tpu.memory_space<vmem>>) semaphore(%arg10 : memref<!tpu.dma_semaphore, #tpu.memory_space<semaphore_mem>>)
      %dma_start3A_168 = arith.constant 3072 : i32
      %dma_start3A_169 = tpu.memref_slice %arg8[%dma_start3A_168] : memref<4096xf32, #tpu.memory_space<vmem>> -> memref<128xf32, #tpu.memory_space<vmem>>
      %dma_start3A_170 = arith.constant 3072 : i32
      %dma_start3A_171 = tpu.memref_slice %arg7[%dma_start3A_170] : memref<4096xi32, #tpu.memory_space<vmem>> -> memref<128xi32, #tpu.memory_space<vmem>>
      %dma_start3A_172 = arith.constant 0 : i32
      %dma_start3A_173 = tpu.memref_slice %arg2[%dma_start3A_172] : memref<33554432xf32, #tpu.memory_space<hbm>> -> memref<33554432xf32, #tpu.memory_space<hbm>>
      tpu.enqueue_indirect_dma source(%dma_start3A_173 : memref<33554432xf32, #tpu.memory_space<hbm>>) target(%dma_start3A_169 : memref<128xf32, #tpu.memory_space<vmem>>) offsets(%dma_start3A_171 : memref<128xi32, #tpu.memory_space<vmem>>) semaphore(%arg10 : memref<!tpu.dma_semaphore, #tpu.memory_space<semaphore_mem>>)
      %dma_start3A_174 = arith.constant 3200 : i32
      %dma_start3A_175 = tpu.memref_slice %arg8[%dma_start3A_174] : memref<4096xf32, #tpu.memory_space<vmem>> -> memref<128xf32, #tpu.memory_space<vmem>>
      %dma_start3A_176 = arith.constant 3200 : i32
      %dma_start3A_177 = tpu.memref_slice %arg7[%dma_start3A_176] : memref<4096xi32, #tpu.memory_space<vmem>> -> memref<128xi32, #tpu.memory_space<vmem>>
      %dma_start3A_178 = arith.constant 0 : i32
      %dma_start3A_179 = tpu.memref_slice %arg2[%dma_start3A_178] : memref<33554432xf32, #tpu.memory_space<hbm>> -> memref<33554432xf32, #tpu.memory_space<hbm>>
      tpu.enqueue_indirect_dma source(%dma_start3A_179 : memref<33554432xf32, #tpu.memory_space<hbm>>) target(%dma_start3A_175 : memref<128xf32, #tpu.memory_space<vmem>>) offsets(%dma_start3A_177 : memref<128xi32, #tpu.memory_space<vmem>>) semaphore(%arg10 : memref<!tpu.dma_semaphore, #tpu.memory_space<semaphore_mem>>)
      %dma_start3A_180 = arith.constant 3328 : i32
      %dma_start3A_181 = tpu.memref_slice %arg8[%dma_start3A_180] : memref<4096xf32, #tpu.memory_space<vmem>> -> memref<128xf32, #tpu.memory_space<vmem>>
      %dma_start3A_182 = arith.constant 3328 : i32
      %dma_start3A_183 = tpu.memref_slice %arg7[%dma_start3A_182] : memref<4096xi32, #tpu.memory_space<vmem>> -> memref<128xi32, #tpu.memory_space<vmem>>
      %dma_start3A_184 = arith.constant 0 : i32
      %dma_start3A_185 = tpu.memref_slice %arg2[%dma_start3A_184] : memref<33554432xf32, #tpu.memory_space<hbm>> -> memref<33554432xf32, #tpu.memory_space<hbm>>
      tpu.enqueue_indirect_dma source(%dma_start3A_185 : memref<33554432xf32, #tpu.memory_space<hbm>>) target(%dma_start3A_181 : memref<128xf32, #tpu.memory_space<vmem>>) offsets(%dma_start3A_183 : memref<128xi32, #tpu.memory_space<vmem>>) semaphore(%arg10 : memref<!tpu.dma_semaphore, #tpu.memory_space<semaphore_mem>>)
      %dma_start3A_186 = arith.constant 3456 : i32
      %dma_start3A_187 = tpu.memref_slice %arg8[%dma_start3A_186] : memref<4096xf32, #tpu.memory_space<vmem>> -> memref<128xf32, #tpu.memory_space<vmem>>
      %dma_start3A_188 = arith.constant 3456 : i32
      %dma_start3A_189 = tpu.memref_slice %arg7[%dma_start3A_188] : memref<4096xi32, #tpu.memory_space<vmem>> -> memref<128xi32, #tpu.memory_space<vmem>>
      %dma_start3A_190 = arith.constant 0 : i32
      %dma_start3A_191 = tpu.memref_slice %arg2[%dma_start3A_190] : memref<33554432xf32, #tpu.memory_space<hbm>> -> memref<33554432xf32, #tpu.memory_space<hbm>>
      tpu.enqueue_indirect_dma source(%dma_start3A_191 : memref<33554432xf32, #tpu.memory_space<hbm>>) target(%dma_start3A_187 : memref<128xf32, #tpu.memory_space<vmem>>) offsets(%dma_start3A_189 : memref<128xi32, #tpu.memory_space<vmem>>) semaphore(%arg10 : memref<!tpu.dma_semaphore, #tpu.memory_space<semaphore_mem>>)
      %dma_start3A_192 = arith.constant 3584 : i32
      %dma_start3A_193 = tpu.memref_slice %arg8[%dma_start3A_192] : memref<4096xf32, #tpu.memory_space<vmem>> -> memref<128xf32, #tpu.memory_space<vmem>>
      %dma_start3A_194 = arith.constant 3584 : i32
      %dma_start3A_195 = tpu.memref_slice %arg7[%dma_start3A_194] : memref<4096xi32, #tpu.memory_space<vmem>> -> memref<128xi32, #tpu.memory_space<vmem>>
      %dma_start3A_196 = arith.constant 0 : i32
      %dma_start3A_197 = tpu.memref_slice %arg2[%dma_start3A_196] : memref<33554432xf32, #tpu.memory_space<hbm>> -> memref<33554432xf32, #tpu.memory_space<hbm>>
      tpu.enqueue_indirect_dma source(%dma_start3A_197 : memref<33554432xf32, #tpu.memory_space<hbm>>) target(%dma_start3A_193 : memref<128xf32, #tpu.memory_space<vmem>>) offsets(%dma_start3A_195 : memref<128xi32, #tpu.memory_space<vmem>>) semaphore(%arg10 : memref<!tpu.dma_semaphore, #tpu.memory_space<semaphore_mem>>)
      %dma_start3A_198 = arith.constant 3712 : i32
      %dma_start3A_199 = tpu.memref_slice %arg8[%dma_start3A_198] : memref<4096xf32, #tpu.memory_space<vmem>> -> memref<128xf32, #tpu.memory_space<vmem>>
      %dma_start3A_200 = arith.constant 3712 : i32
      %dma_start3A_201 = tpu.memref_slice %arg7[%dma_start3A_200] : memref<4096xi32, #tpu.memory_space<vmem>> -> memref<128xi32, #tpu.memory_space<vmem>>
      %dma_start3A_202 = arith.constant 0 : i32
      %dma_start3A_203 = tpu.memref_slice %arg2[%dma_start3A_202] : memref<33554432xf32, #tpu.memory_space<hbm>> -> memref<33554432xf32, #tpu.memory_space<hbm>>
      tpu.enqueue_indirect_dma source(%dma_start3A_203 : memref<33554432xf32, #tpu.memory_space<hbm>>) target(%dma_start3A_199 : memref<128xf32, #tpu.memory_space<vmem>>) offsets(%dma_start3A_201 : memref<128xi32, #tpu.memory_space<vmem>>) semaphore(%arg10 : memref<!tpu.dma_semaphore, #tpu.memory_space<semaphore_mem>>)
      %dma_start3A_204 = arith.constant 3840 : i32
      %dma_start3A_205 = tpu.memref_slice %arg8[%dma_start3A_204] : memref<4096xf32, #tpu.memory_space<vmem>> -> memref<128xf32, #tpu.memory_space<vmem>>
      %dma_start3A_206 = arith.constant 3840 : i32
      %dma_start3A_207 = tpu.memref_slice %arg7[%dma_start3A_206] : memref<4096xi32, #tpu.memory_space<vmem>> -> memref<128xi32, #tpu.memory_space<vmem>>
      %dma_start3A_208 = arith.constant 0 : i32
      %dma_start3A_209 = tpu.memref_slice %arg2[%dma_start3A_208] : memref<33554432xf32, #tpu.memory_space<hbm>> -> memref<33554432xf32, #tpu.memory_space<hbm>>
      tpu.enqueue_indirect_dma source(%dma_start3A_209 : memref<33554432xf32, #tpu.memory_space<hbm>>) target(%dma_start3A_205 : memref<128xf32, #tpu.memory_space<vmem>>) offsets(%dma_start3A_207 : memref<128xi32, #tpu.memory_space<vmem>>) semaphore(%arg10 : memref<!tpu.dma_semaphore, #tpu.memory_space<semaphore_mem>>)
      %dma_start3A_210 = arith.constant 3968 : i32
      %dma_start3A_211 = tpu.memref_slice %arg8[%dma_start3A_210] : memref<4096xf32, #tpu.memory_space<vmem>> -> memref<128xf32, #tpu.memory_space<vmem>>
      %dma_start3A_212 = arith.constant 3968 : i32
      %dma_start3A_213 = tpu.memref_slice %arg7[%dma_start3A_212] : memref<4096xi32, #tpu.memory_space<vmem>> -> memref<128xi32, #tpu.memory_space<vmem>>
      %dma_start3A_214 = arith.constant 0 : i32
      %dma_start3A_215 = tpu.memref_slice %arg2[%dma_start3A_214] : memref<33554432xf32, #tpu.memory_space<hbm>> -> memref<33554432xf32, #tpu.memory_space<hbm>>
      tpu.enqueue_indirect_dma source(%dma_start3A_215 : memref<33554432xf32, #tpu.memory_space<hbm>>) target(%dma_start3A_211 : memref<128xf32, #tpu.memory_space<vmem>>) offsets(%dma_start3A_213 : memref<128xi32, #tpu.memory_space<vmem>>) semaphore(%arg10 : memref<!tpu.dma_semaphore, #tpu.memory_space<semaphore_mem>>)
      %dma_wait3A = arith.constant 0 : i32
      %dma_wait3A_216 = tpu.memref_slice %arg8[%dma_wait3A] : memref<4096xf32, #tpu.memory_space<vmem>> -> memref<128xf32, #tpu.memory_space<vmem>>
      %dma_wait3A_217 = arith.constant 0 : i32
      %dma_wait3A_218 = tpu.memref_slice %arg7[%dma_wait3A_217] : memref<4096xi32, #tpu.memory_space<vmem>> -> memref<128xi32, #tpu.memory_space<vmem>>
      %dma_wait3A_219 = arith.constant 0 : i32
      %dma_wait3A_220 = tpu.memref_slice %arg2[%dma_wait3A_219] : memref<33554432xf32, #tpu.memory_space<hbm>> -> memref<33554432xf32, #tpu.memory_space<hbm>>
      tpu.wait_indirect_dma semaphore(%arg10 : memref<!tpu.dma_semaphore, #tpu.memory_space<semaphore_mem>>) src(%dma_wait3A_220 : memref<33554432xf32, #tpu.memory_space<hbm>>) dst(%dma_wait3A_216 : memref<128xf32, #tpu.memory_space<vmem>>)
      %dma_wait3A_221 = arith.constant 128 : i32
      %dma_wait3A_222 = tpu.memref_slice %arg8[%dma_wait3A_221] : memref<4096xf32, #tpu.memory_space<vmem>> -> memref<128xf32, #tpu.memory_space<vmem>>
      %dma_wait3A_223 = arith.constant 128 : i32
      %dma_wait3A_224 = tpu.memref_slice %arg7[%dma_wait3A_223] : memref<4096xi32, #tpu.memory_space<vmem>> -> memref<128xi32, #tpu.memory_space<vmem>>
      %dma_wait3A_225 = arith.constant 0 : i32
      %dma_wait3A_226 = tpu.memref_slice %arg2[%dma_wait3A_225] : memref<33554432xf32, #tpu.memory_space<hbm>> -> memref<33554432xf32, #tpu.memory_space<hbm>>
      tpu.wait_indirect_dma semaphore(%arg10 : memref<!tpu.dma_semaphore, #tpu.memory_space<semaphore_mem>>) src(%dma_wait3A_226 : memref<33554432xf32, #tpu.memory_space<hbm>>) dst(%dma_wait3A_222 : memref<128xf32, #tpu.memory_space<vmem>>)
      %dma_wait3A_227 = arith.constant 256 : i32
      %dma_wait3A_228 = tpu.memref_slice %arg8[%dma_wait3A_227] : memref<4096xf32, #tpu.memory_space<vmem>> -> memref<128xf32, #tpu.memory_space<vmem>>
      %dma_wait3A_229 = arith.constant 256 : i32
      %dma_wait3A_230 = tpu.memref_slice %arg7[%dma_wait3A_229] : memref<4096xi32, #tpu.memory_space<vmem>> -> memref<128xi32, #tpu.memory_space<vmem>>
      %dma_wait3A_231 = arith.constant 0 : i32
      %dma_wait3A_232 = tpu.memref_slice %arg2[%dma_wait3A_231] : memref<33554432xf32, #tpu.memory_space<hbm>> -> memref<33554432xf32, #tpu.memory_space<hbm>>
      tpu.wait_indirect_dma semaphore(%arg10 : memref<!tpu.dma_semaphore, #tpu.memory_space<semaphore_mem>>) src(%dma_wait3A_232 : memref<33554432xf32, #tpu.memory_space<hbm>>) dst(%dma_wait3A_228 : memref<128xf32, #tpu.memory_space<vmem>>)
      %dma_wait3A_233 = arith.constant 384 : i32
      %dma_wait3A_234 = tpu.memref_slice %arg8[%dma_wait3A_233] : memref<4096xf32, #tpu.memory_space<vmem>> -> memref<128xf32, #tpu.memory_space<vmem>>
      %dma_wait3A_235 = arith.constant 384 : i32
      %dma_wait3A_236 = tpu.memref_slice %arg7[%dma_wait3A_235] : memref<4096xi32, #tpu.memory_space<vmem>> -> memref<128xi32, #tpu.memory_space<vmem>>
      %dma_wait3A_237 = arith.constant 0 : i32
      %dma_wait3A_238 = tpu.memref_slice %arg2[%dma_wait3A_237] : memref<33554432xf32, #tpu.memory_space<hbm>> -> memref<33554432xf32, #tpu.memory_space<hbm>>
      tpu.wait_indirect_dma semaphore(%arg10 : memref<!tpu.dma_semaphore, #tpu.memory_space<semaphore_mem>>) src(%dma_wait3A_238 : memref<33554432xf32, #tpu.memory_space<hbm>>) dst(%dma_wait3A_234 : memref<128xf32, #tpu.memory_space<vmem>>)
      %dma_wait3A_239 = arith.constant 512 : i32
      %dma_wait3A_240 = tpu.memref_slice %arg8[%dma_wait3A_239] : memref<4096xf32, #tpu.memory_space<vmem>> -> memref<128xf32, #tpu.memory_space<vmem>>
      %dma_wait3A_241 = arith.constant 512 : i32
      %dma_wait3A_242 = tpu.memref_slice %arg7[%dma_wait3A_241] : memref<4096xi32, #tpu.memory_space<vmem>> -> memref<128xi32, #tpu.memory_space<vmem>>
      %dma_wait3A_243 = arith.constant 0 : i32
      %dma_wait3A_244 = tpu.memref_slice %arg2[%dma_wait3A_243] : memref<33554432xf32, #tpu.memory_space<hbm>> -> memref<33554432xf32, #tpu.memory_space<hbm>>
      tpu.wait_indirect_dma semaphore(%arg10 : memref<!tpu.dma_semaphore, #tpu.memory_space<semaphore_mem>>) src(%dma_wait3A_244 : memref<33554432xf32, #tpu.memory_space<hbm>>) dst(%dma_wait3A_240 : memref<128xf32, #tpu.memory_space<vmem>>)
      %dma_wait3A_245 = arith.constant 640 : i32
      %dma_wait3A_246 = tpu.memref_slice %arg8[%dma_wait3A_245] : memref<4096xf32, #tpu.memory_space<vmem>> -> memref<128xf32, #tpu.memory_space<vmem>>
      %dma_wait3A_247 = arith.constant 640 : i32
      %dma_wait3A_248 = tpu.memref_slice %arg7[%dma_wait3A_247] : memref<4096xi32, #tpu.memory_space<vmem>> -> memref<128xi32, #tpu.memory_space<vmem>>
      %dma_wait3A_249 = arith.constant 0 : i32
      %dma_wait3A_250 = tpu.memref_slice %arg2[%dma_wait3A_249] : memref<33554432xf32, #tpu.memory_space<hbm>> -> memref<33554432xf32, #tpu.memory_space<hbm>>
      tpu.wait_indirect_dma semaphore(%arg10 : memref<!tpu.dma_semaphore, #tpu.memory_space<semaphore_mem>>) src(%dma_wait3A_250 : memref<33554432xf32, #tpu.memory_space<hbm>>) dst(%dma_wait3A_246 : memref<128xf32, #tpu.memory_space<vmem>>)
      %dma_wait3A_251 = arith.constant 768 : i32
      %dma_wait3A_252 = tpu.memref_slice %arg8[%dma_wait3A_251] : memref<4096xf32, #tpu.memory_space<vmem>> -> memref<128xf32, #tpu.memory_space<vmem>>
      %dma_wait3A_253 = arith.constant 768 : i32
      %dma_wait3A_254 = tpu.memref_slice %arg7[%dma_wait3A_253] : memref<4096xi32, #tpu.memory_space<vmem>> -> memref<128xi32, #tpu.memory_space<vmem>>
      %dma_wait3A_255 = arith.constant 0 : i32
      %dma_wait3A_256 = tpu.memref_slice %arg2[%dma_wait3A_255] : memref<33554432xf32, #tpu.memory_space<hbm>> -> memref<33554432xf32, #tpu.memory_space<hbm>>
      tpu.wait_indirect_dma semaphore(%arg10 : memref<!tpu.dma_semaphore, #tpu.memory_space<semaphore_mem>>) src(%dma_wait3A_256 : memref<33554432xf32, #tpu.memory_space<hbm>>) dst(%dma_wait3A_252 : memref<128xf32, #tpu.memory_space<vmem>>)
      %dma_wait3A_257 = arith.constant 896 : i32
      %dma_wait3A_258 = tpu.memref_slice %arg8[%dma_wait3A_257] : memref<4096xf32, #tpu.memory_space<vmem>> -> memref<128xf32, #tpu.memory_space<vmem>>
      %dma_wait3A_259 = arith.constant 896 : i32
      %dma_wait3A_260 = tpu.memref_slice %arg7[%dma_wait3A_259] : memref<4096xi32, #tpu.memory_space<vmem>> -> memref<128xi32, #tpu.memory_space<vmem>>
      %dma_wait3A_261 = arith.constant 0 : i32
      %dma_wait3A_262 = tpu.memref_slice %arg2[%dma_wait3A_261] : memref<33554432xf32, #tpu.memory_space<hbm>> -> memref<33554432xf32, #tpu.memory_space<hbm>>
      tpu.wait_indirect_dma semaphore(%arg10 : memref<!tpu.dma_semaphore, #tpu.memory_space<semaphore_mem>>) src(%dma_wait3A_262 : memref<33554432xf32, #tpu.memory_space<hbm>>) dst(%dma_wait3A_258 : memref<128xf32, #tpu.memory_space<vmem>>)
      %dma_wait3A_263 = arith.constant 1024 : i32
      %dma_wait3A_264 = tpu.memref_slice %arg8[%dma_wait3A_263] : memref<4096xf32, #tpu.memory_space<vmem>> -> memref<128xf32, #tpu.memory_space<vmem>>
      %dma_wait3A_265 = arith.constant 1024 : i32
      %dma_wait3A_266 = tpu.memref_slice %arg7[%dma_wait3A_265] : memref<4096xi32, #tpu.memory_space<vmem>> -> memref<128xi32, #tpu.memory_space<vmem>>
      %dma_wait3A_267 = arith.constant 0 : i32
      %dma_wait3A_268 = tpu.memref_slice %arg2[%dma_wait3A_267] : memref<33554432xf32, #tpu.memory_space<hbm>> -> memref<33554432xf32, #tpu.memory_space<hbm>>
      tpu.wait_indirect_dma semaphore(%arg10 : memref<!tpu.dma_semaphore, #tpu.memory_space<semaphore_mem>>) src(%dma_wait3A_268 : memref<33554432xf32, #tpu.memory_space<hbm>>) dst(%dma_wait3A_264 : memref<128xf32, #tpu.memory_space<vmem>>)
      %dma_wait3A_269 = arith.constant 1152 : i32
      %dma_wait3A_270 = tpu.memref_slice %arg8[%dma_wait3A_269] : memref<4096xf32, #tpu.memory_space<vmem>> -> memref<128xf32, #tpu.memory_space<vmem>>
      %dma_wait3A_271 = arith.constant 1152 : i32
      %dma_wait3A_272 = tpu.memref_slice %arg7[%dma_wait3A_271] : memref<4096xi32, #tpu.memory_space<vmem>> -> memref<128xi32, #tpu.memory_space<vmem>>
      %dma_wait3A_273 = arith.constant 0 : i32
      %dma_wait3A_274 = tpu.memref_slice %arg2[%dma_wait3A_273] : memref<33554432xf32, #tpu.memory_space<hbm>> -> memref<33554432xf32, #tpu.memory_space<hbm>>
      tpu.wait_indirect_dma semaphore(%arg10 : memref<!tpu.dma_semaphore, #tpu.memory_space<semaphore_mem>>) src(%dma_wait3A_274 : memref<33554432xf32, #tpu.memory_space<hbm>>) dst(%dma_wait3A_270 : memref<128xf32, #tpu.memory_space<vmem>>)
      %dma_wait3A_275 = arith.constant 1280 : i32
      %dma_wait3A_276 = tpu.memref_slice %arg8[%dma_wait3A_275] : memref<4096xf32, #tpu.memory_space<vmem>> -> memref<128xf32, #tpu.memory_space<vmem>>
      %dma_wait3A_277 = arith.constant 1280 : i32
      %dma_wait3A_278 = tpu.memref_slice %arg7[%dma_wait3A_277] : memref<4096xi32, #tpu.memory_space<vmem>> -> memref<128xi32, #tpu.memory_space<vmem>>
      %dma_wait3A_279 = arith.constant 0 : i32
      %dma_wait3A_280 = tpu.memref_slice %arg2[%dma_wait3A_279] : memref<33554432xf32, #tpu.memory_space<hbm>> -> memref<33554432xf32, #tpu.memory_space<hbm>>
      tpu.wait_indirect_dma semaphore(%arg10 : memref<!tpu.dma_semaphore, #tpu.memory_space<semaphore_mem>>) src(%dma_wait3A_280 : memref<33554432xf32, #tpu.memory_space<hbm>>) dst(%dma_wait3A_276 : memref<128xf32, #tpu.memory_space<vmem>>)
      %dma_wait3A_281 = arith.constant 1408 : i32
      %dma_wait3A_282 = tpu.memref_slice %arg8[%dma_wait3A_281] : memref<4096xf32, #tpu.memory_space<vmem>> -> memref<128xf32, #tpu.memory_space<vmem>>
      %dma_wait3A_283 = arith.constant 1408 : i32
      %dma_wait3A_284 = tpu.memref_slice %arg7[%dma_wait3A_283] : memref<4096xi32, #tpu.memory_space<vmem>> -> memref<128xi32, #tpu.memory_space<vmem>>
      %dma_wait3A_285 = arith.constant 0 : i32
      %dma_wait3A_286 = tpu.memref_slice %arg2[%dma_wait3A_285] : memref<33554432xf32, #tpu.memory_space<hbm>> -> memref<33554432xf32, #tpu.memory_space<hbm>>
      tpu.wait_indirect_dma semaphore(%arg10 : memref<!tpu.dma_semaphore, #tpu.memory_space<semaphore_mem>>) src(%dma_wait3A_286 : memref<33554432xf32, #tpu.memory_space<hbm>>) dst(%dma_wait3A_282 : memref<128xf32, #tpu.memory_space<vmem>>)
      %dma_wait3A_287 = arith.constant 1536 : i32
      %dma_wait3A_288 = tpu.memref_slice %arg8[%dma_wait3A_287] : memref<4096xf32, #tpu.memory_space<vmem>> -> memref<128xf32, #tpu.memory_space<vmem>>
      %dma_wait3A_289 = arith.constant 1536 : i32
      %dma_wait3A_290 = tpu.memref_slice %arg7[%dma_wait3A_289] : memref<4096xi32, #tpu.memory_space<vmem>> -> memref<128xi32, #tpu.memory_space<vmem>>
      %dma_wait3A_291 = arith.constant 0 : i32
      %dma_wait3A_292 = tpu.memref_slice %arg2[%dma_wait3A_291] : memref<33554432xf32, #tpu.memory_space<hbm>> -> memref<33554432xf32, #tpu.memory_space<hbm>>
      tpu.wait_indirect_dma semaphore(%arg10 : memref<!tpu.dma_semaphore, #tpu.memory_space<semaphore_mem>>) src(%dma_wait3A_292 : memref<33554432xf32, #tpu.memory_space<hbm>>) dst(%dma_wait3A_288 : memref<128xf32, #tpu.memory_space<vmem>>)
      %dma_wait3A_293 = arith.constant 1664 : i32
      %dma_wait3A_294 = tpu.memref_slice %arg8[%dma_wait3A_293] : memref<4096xf32, #tpu.memory_space<vmem>> -> memref<128xf32, #tpu.memory_space<vmem>>
      %dma_wait3A_295 = arith.constant 1664 : i32
      %dma_wait3A_296 = tpu.memref_slice %arg7[%dma_wait3A_295] : memref<4096xi32, #tpu.memory_space<vmem>> -> memref<128xi32, #tpu.memory_space<vmem>>
      %dma_wait3A_297 = arith.constant 0 : i32
      %dma_wait3A_298 = tpu.memref_slice %arg2[%dma_wait3A_297] : memref<33554432xf32, #tpu.memory_space<hbm>> -> memref<33554432xf32, #tpu.memory_space<hbm>>
      tpu.wait_indirect_dma semaphore(%arg10 : memref<!tpu.dma_semaphore, #tpu.memory_space<semaphore_mem>>) src(%dma_wait3A_298 : memref<33554432xf32, #tpu.memory_space<hbm>>) dst(%dma_wait3A_294 : memref<128xf32, #tpu.memory_space<vmem>>)
      %dma_wait3A_299 = arith.constant 1792 : i32
      %dma_wait3A_300 = tpu.memref_slice %arg8[%dma_wait3A_299] : memref<4096xf32, #tpu.memory_space<vmem>> -> memref<128xf32, #tpu.memory_space<vmem>>
      %dma_wait3A_301 = arith.constant 1792 : i32
      %dma_wait3A_302 = tpu.memref_slice %arg7[%dma_wait3A_301] : memref<4096xi32, #tpu.memory_space<vmem>> -> memref<128xi32, #tpu.memory_space<vmem>>
      %dma_wait3A_303 = arith.constant 0 : i32
      %dma_wait3A_304 = tpu.memref_slice %arg2[%dma_wait3A_303] : memref<33554432xf32, #tpu.memory_space<hbm>> -> memref<33554432xf32, #tpu.memory_space<hbm>>
      tpu.wait_indirect_dma semaphore(%arg10 : memref<!tpu.dma_semaphore, #tpu.memory_space<semaphore_mem>>) src(%dma_wait3A_304 : memref<33554432xf32, #tpu.memory_space<hbm>>) dst(%dma_wait3A_300 : memref<128xf32, #tpu.memory_space<vmem>>)
      %dma_wait3A_305 = arith.constant 1920 : i32
      %dma_wait3A_306 = tpu.memref_slice %arg8[%dma_wait3A_305] : memref<4096xf32, #tpu.memory_space<vmem>> -> memref<128xf32, #tpu.memory_space<vmem>>
      %dma_wait3A_307 = arith.constant 1920 : i32
      %dma_wait3A_308 = tpu.memref_slice %arg7[%dma_wait3A_307] : memref<4096xi32, #tpu.memory_space<vmem>> -> memref<128xi32, #tpu.memory_space<vmem>>
      %dma_wait3A_309 = arith.constant 0 : i32
      %dma_wait3A_310 = tpu.memref_slice %arg2[%dma_wait3A_309] : memref<33554432xf32, #tpu.memory_space<hbm>> -> memref<33554432xf32, #tpu.memory_space<hbm>>
      tpu.wait_indirect_dma semaphore(%arg10 : memref<!tpu.dma_semaphore, #tpu.memory_space<semaphore_mem>>) src(%dma_wait3A_310 : memref<33554432xf32, #tpu.memory_space<hbm>>) dst(%dma_wait3A_306 : memref<128xf32, #tpu.memory_space<vmem>>)
      %dma_wait3A_311 = arith.constant 2048 : i32
      %dma_wait3A_312 = tpu.memref_slice %arg8[%dma_wait3A_311] : memref<4096xf32, #tpu.memory_space<vmem>> -> memref<128xf32, #tpu.memory_space<vmem>>
      %dma_wait3A_313 = arith.constant 2048 : i32
      %dma_wait3A_314 = tpu.memref_slice %arg7[%dma_wait3A_313] : memref<4096xi32, #tpu.memory_space<vmem>> -> memref<128xi32, #tpu.memory_space<vmem>>
      %dma_wait3A_315 = arith.constant 0 : i32
      %dma_wait3A_316 = tpu.memref_slice %arg2[%dma_wait3A_315] : memref<33554432xf32, #tpu.memory_space<hbm>> -> memref<33554432xf32, #tpu.memory_space<hbm>>
      tpu.wait_indirect_dma semaphore(%arg10 : memref<!tpu.dma_semaphore, #tpu.memory_space<semaphore_mem>>) src(%dma_wait3A_316 : memref<33554432xf32, #tpu.memory_space<hbm>>) dst(%dma_wait3A_312 : memref<128xf32, #tpu.memory_space<vmem>>)
      %dma_wait3A_317 = arith.constant 2176 : i32
      %dma_wait3A_318 = tpu.memref_slice %arg8[%dma_wait3A_317] : memref<4096xf32, #tpu.memory_space<vmem>> -> memref<128xf32, #tpu.memory_space<vmem>>
      %dma_wait3A_319 = arith.constant 2176 : i32
      %dma_wait3A_320 = tpu.memref_slice %arg7[%dma_wait3A_319] : memref<4096xi32, #tpu.memory_space<vmem>> -> memref<128xi32, #tpu.memory_space<vmem>>
      %dma_wait3A_321 = arith.constant 0 : i32
      %dma_wait3A_322 = tpu.memref_slice %arg2[%dma_wait3A_321] : memref<33554432xf32, #tpu.memory_space<hbm>> -> memref<33554432xf32, #tpu.memory_space<hbm>>
      tpu.wait_indirect_dma semaphore(%arg10 : memref<!tpu.dma_semaphore, #tpu.memory_space<semaphore_mem>>) src(%dma_wait3A_322 : memref<33554432xf32, #tpu.memory_space<hbm>>) dst(%dma_wait3A_318 : memref<128xf32, #tpu.memory_space<vmem>>)
      %dma_wait3A_323 = arith.constant 2304 : i32
      %dma_wait3A_324 = tpu.memref_slice %arg8[%dma_wait3A_323] : memref<4096xf32, #tpu.memory_space<vmem>> -> memref<128xf32, #tpu.memory_space<vmem>>
      %dma_wait3A_325 = arith.constant 2304 : i32
      %dma_wait3A_326 = tpu.memref_slice %arg7[%dma_wait3A_325] : memref<4096xi32, #tpu.memory_space<vmem>> -> memref<128xi32, #tpu.memory_space<vmem>>
      %dma_wait3A_327 = arith.constant 0 : i32
      %dma_wait3A_328 = tpu.memref_slice %arg2[%dma_wait3A_327] : memref<33554432xf32, #tpu.memory_space<hbm>> -> memref<33554432xf32, #tpu.memory_space<hbm>>
      tpu.wait_indirect_dma semaphore(%arg10 : memref<!tpu.dma_semaphore, #tpu.memory_space<semaphore_mem>>) src(%dma_wait3A_328 : memref<33554432xf32, #tpu.memory_space<hbm>>) dst(%dma_wait3A_324 : memref<128xf32, #tpu.memory_space<vmem>>)
      %dma_wait3A_329 = arith.constant 2432 : i32
      %dma_wait3A_330 = tpu.memref_slice %arg8[%dma_wait3A_329] : memref<4096xf32, #tpu.memory_space<vmem>> -> memref<128xf32, #tpu.memory_space<vmem>>
      %dma_wait3A_331 = arith.constant 2432 : i32
      %dma_wait3A_332 = tpu.memref_slice %arg7[%dma_wait3A_331] : memref<4096xi32, #tpu.memory_space<vmem>> -> memref<128xi32, #tpu.memory_space<vmem>>
      %dma_wait3A_333 = arith.constant 0 : i32
      %dma_wait3A_334 = tpu.memref_slice %arg2[%dma_wait3A_333] : memref<33554432xf32, #tpu.memory_space<hbm>> -> memref<33554432xf32, #tpu.memory_space<hbm>>
      tpu.wait_indirect_dma semaphore(%arg10 : memref<!tpu.dma_semaphore, #tpu.memory_space<semaphore_mem>>) src(%dma_wait3A_334 : memref<33554432xf32, #tpu.memory_space<hbm>>) dst(%dma_wait3A_330 : memref<128xf32, #tpu.memory_space<vmem>>)
      %dma_wait3A_335 = arith.constant 2560 : i32
      %dma_wait3A_336 = tpu.memref_slice %arg8[%dma_wait3A_335] : memref<4096xf32, #tpu.memory_space<vmem>> -> memref<128xf32, #tpu.memory_space<vmem>>
      %dma_wait3A_337 = arith.constant 2560 : i32
      %dma_wait3A_338 = tpu.memref_slice %arg7[%dma_wait3A_337] : memref<4096xi32, #tpu.memory_space<vmem>> -> memref<128xi32, #tpu.memory_space<vmem>>
      %dma_wait3A_339 = arith.constant 0 : i32
      %dma_wait3A_340 = tpu.memref_slice %arg2[%dma_wait3A_339] : memref<33554432xf32, #tpu.memory_space<hbm>> -> memref<33554432xf32, #tpu.memory_space<hbm>>
      tpu.wait_indirect_dma semaphore(%arg10 : memref<!tpu.dma_semaphore, #tpu.memory_space<semaphore_mem>>) src(%dma_wait3A_340 : memref<33554432xf32, #tpu.memory_space<hbm>>) dst(%dma_wait3A_336 : memref<128xf32, #tpu.memory_space<vmem>>)
      %dma_wait3A_341 = arith.constant 2688 : i32
      %dma_wait3A_342 = tpu.memref_slice %arg8[%dma_wait3A_341] : memref<4096xf32, #tpu.memory_space<vmem>> -> memref<128xf32, #tpu.memory_space<vmem>>
      %dma_wait3A_343 = arith.constant 2688 : i32
      %dma_wait3A_344 = tpu.memref_slice %arg7[%dma_wait3A_343] : memref<4096xi32, #tpu.memory_space<vmem>> -> memref<128xi32, #tpu.memory_space<vmem>>
      %dma_wait3A_345 = arith.constant 0 : i32
      %dma_wait3A_346 = tpu.memref_slice %arg2[%dma_wait3A_345] : memref<33554432xf32, #tpu.memory_space<hbm>> -> memref<33554432xf32, #tpu.memory_space<hbm>>
      tpu.wait_indirect_dma semaphore(%arg10 : memref<!tpu.dma_semaphore, #tpu.memory_space<semaphore_mem>>) src(%dma_wait3A_346 : memref<33554432xf32, #tpu.memory_space<hbm>>) dst(%dma_wait3A_342 : memref<128xf32, #tpu.memory_space<vmem>>)
      %dma_wait3A_347 = arith.constant 2816 : i32
      %dma_wait3A_348 = tpu.memref_slice %arg8[%dma_wait3A_347] : memref<4096xf32, #tpu.memory_space<vmem>> -> memref<128xf32, #tpu.memory_space<vmem>>
      %dma_wait3A_349 = arith.constant 2816 : i32
      %dma_wait3A_350 = tpu.memref_slice %arg7[%dma_wait3A_349] : memref<4096xi32, #tpu.memory_space<vmem>> -> memref<128xi32, #tpu.memory_space<vmem>>
      %dma_wait3A_351 = arith.constant 0 : i32
      %dma_wait3A_352 = tpu.memref_slice %arg2[%dma_wait3A_351] : memref<33554432xf32, #tpu.memory_space<hbm>> -> memref<33554432xf32, #tpu.memory_space<hbm>>
      tpu.wait_indirect_dma semaphore(%arg10 : memref<!tpu.dma_semaphore, #tpu.memory_space<semaphore_mem>>) src(%dma_wait3A_352 : memref<33554432xf32, #tpu.memory_space<hbm>>) dst(%dma_wait3A_348 : memref<128xf32, #tpu.memory_space<vmem>>)
      %dma_wait3A_353 = arith.constant 2944 : i32
      %dma_wait3A_354 = tpu.memref_slice %arg8[%dma_wait3A_353] : memref<4096xf32, #tpu.memory_space<vmem>> -> memref<128xf32, #tpu.memory_space<vmem>>
      %dma_wait3A_355 = arith.constant 2944 : i32
      %dma_wait3A_356 = tpu.memref_slice %arg7[%dma_wait3A_355] : memref<4096xi32, #tpu.memory_space<vmem>> -> memref<128xi32, #tpu.memory_space<vmem>>
      %dma_wait3A_357 = arith.constant 0 : i32
      %dma_wait3A_358 = tpu.memref_slice %arg2[%dma_wait3A_357] : memref<33554432xf32, #tpu.memory_space<hbm>> -> memref<33554432xf32, #tpu.memory_space<hbm>>
      tpu.wait_indirect_dma semaphore(%arg10 : memref<!tpu.dma_semaphore, #tpu.memory_space<semaphore_mem>>) src(%dma_wait3A_358 : memref<33554432xf32, #tpu.memory_space<hbm>>) dst(%dma_wait3A_354 : memref<128xf32, #tpu.memory_space<vmem>>)
      %dma_wait3A_359 = arith.constant 3072 : i32
      %dma_wait3A_360 = tpu.memref_slice %arg8[%dma_wait3A_359] : memref<4096xf32, #tpu.memory_space<vmem>> -> memref<128xf32, #tpu.memory_space<vmem>>
      %dma_wait3A_361 = arith.constant 3072 : i32
      %dma_wait3A_362 = tpu.memref_slice %arg7[%dma_wait3A_361] : memref<4096xi32, #tpu.memory_space<vmem>> -> memref<128xi32, #tpu.memory_space<vmem>>
      %dma_wait3A_363 = arith.constant 0 : i32
      %dma_wait3A_364 = tpu.memref_slice %arg2[%dma_wait3A_363] : memref<33554432xf32, #tpu.memory_space<hbm>> -> memref<33554432xf32, #tpu.memory_space<hbm>>
      tpu.wait_indirect_dma semaphore(%arg10 : memref<!tpu.dma_semaphore, #tpu.memory_space<semaphore_mem>>) src(%dma_wait3A_364 : memref<33554432xf32, #tpu.memory_space<hbm>>) dst(%dma_wait3A_360 : memref<128xf32, #tpu.memory_space<vmem>>)
      %dma_wait3A_365 = arith.constant 3200 : i32
      %dma_wait3A_366 = tpu.memref_slice %arg8[%dma_wait3A_365] : memref<4096xf32, #tpu.memory_space<vmem>> -> memref<128xf32, #tpu.memory_space<vmem>>
      %dma_wait3A_367 = arith.constant 3200 : i32
      %dma_wait3A_368 = tpu.memref_slice %arg7[%dma_wait3A_367] : memref<4096xi32, #tpu.memory_space<vmem>> -> memref<128xi32, #tpu.memory_space<vmem>>
      %dma_wait3A_369 = arith.constant 0 : i32
      %dma_wait3A_370 = tpu.memref_slice %arg2[%dma_wait3A_369] : memref<33554432xf32, #tpu.memory_space<hbm>> -> memref<33554432xf32, #tpu.memory_space<hbm>>
      tpu.wait_indirect_dma semaphore(%arg10 : memref<!tpu.dma_semaphore, #tpu.memory_space<semaphore_mem>>) src(%dma_wait3A_370 : memref<33554432xf32, #tpu.memory_space<hbm>>) dst(%dma_wait3A_366 : memref<128xf32, #tpu.memory_space<vmem>>)
      %dma_wait3A_371 = arith.constant 3328 : i32
      %dma_wait3A_372 = tpu.memref_slice %arg8[%dma_wait3A_371] : memref<4096xf32, #tpu.memory_space<vmem>> -> memref<128xf32, #tpu.memory_space<vmem>>
      %dma_wait3A_373 = arith.constant 3328 : i32
      %dma_wait3A_374 = tpu.memref_slice %arg7[%dma_wait3A_373] : memref<4096xi32, #tpu.memory_space<vmem>> -> memref<128xi32, #tpu.memory_space<vmem>>
      %dma_wait3A_375 = arith.constant 0 : i32
      %dma_wait3A_376 = tpu.memref_slice %arg2[%dma_wait3A_375] : memref<33554432xf32, #tpu.memory_space<hbm>> -> memref<33554432xf32, #tpu.memory_space<hbm>>
      tpu.wait_indirect_dma semaphore(%arg10 : memref<!tpu.dma_semaphore, #tpu.memory_space<semaphore_mem>>) src(%dma_wait3A_376 : memref<33554432xf32, #tpu.memory_space<hbm>>) dst(%dma_wait3A_372 : memref<128xf32, #tpu.memory_space<vmem>>)
      %dma_wait3A_377 = arith.constant 3456 : i32
      %dma_wait3A_378 = tpu.memref_slice %arg8[%dma_wait3A_377] : memref<4096xf32, #tpu.memory_space<vmem>> -> memref<128xf32, #tpu.memory_space<vmem>>
      %dma_wait3A_379 = arith.constant 3456 : i32
      %dma_wait3A_380 = tpu.memref_slice %arg7[%dma_wait3A_379] : memref<4096xi32, #tpu.memory_space<vmem>> -> memref<128xi32, #tpu.memory_space<vmem>>
      %dma_wait3A_381 = arith.constant 0 : i32
      %dma_wait3A_382 = tpu.memref_slice %arg2[%dma_wait3A_381] : memref<33554432xf32, #tpu.memory_space<hbm>> -> memref<33554432xf32, #tpu.memory_space<hbm>>
      tpu.wait_indirect_dma semaphore(%arg10 : memref<!tpu.dma_semaphore, #tpu.memory_space<semaphore_mem>>) src(%dma_wait3A_382 : memref<33554432xf32, #tpu.memory_space<hbm>>) dst(%dma_wait3A_378 : memref<128xf32, #tpu.memory_space<vmem>>)
      %dma_wait3A_383 = arith.constant 3584 : i32
      %dma_wait3A_384 = tpu.memref_slice %arg8[%dma_wait3A_383] : memref<4096xf32, #tpu.memory_space<vmem>> -> memref<128xf32, #tpu.memory_space<vmem>>
      %dma_wait3A_385 = arith.constant 3584 : i32
      %dma_wait3A_386 = tpu.memref_slice %arg7[%dma_wait3A_385] : memref<4096xi32, #tpu.memory_space<vmem>> -> memref<128xi32, #tpu.memory_space<vmem>>
      %dma_wait3A_387 = arith.constant 0 : i32
      %dma_wait3A_388 = tpu.memref_slice %arg2[%dma_wait3A_387] : memref<33554432xf32, #tpu.memory_space<hbm>> -> memref<33554432xf32, #tpu.memory_space<hbm>>
      tpu.wait_indirect_dma semaphore(%arg10 : memref<!tpu.dma_semaphore, #tpu.memory_space<semaphore_mem>>) src(%dma_wait3A_388 : memref<33554432xf32, #tpu.memory_space<hbm>>) dst(%dma_wait3A_384 : memref<128xf32, #tpu.memory_space<vmem>>)
      %dma_wait3A_389 = arith.constant 3712 : i32
      %dma_wait3A_390 = tpu.memref_slice %arg8[%dma_wait3A_389] : memref<4096xf32, #tpu.memory_space<vmem>> -> memref<128xf32, #tpu.memory_space<vmem>>
      %dma_wait3A_391 = arith.constant 3712 : i32
      %dma_wait3A_392 = tpu.memref_slice %arg7[%dma_wait3A_391] : memref<4096xi32, #tpu.memory_space<vmem>> -> memref<128xi32, #tpu.memory_space<vmem>>
      %dma_wait3A_393 = arith.constant 0 : i32
      %dma_wait3A_394 = tpu.memref_slice %arg2[%dma_wait3A_393] : memref<33554432xf32, #tpu.memory_space<hbm>> -> memref<33554432xf32, #tpu.memory_space<hbm>>
      tpu.wait_indirect_dma semaphore(%arg10 : memref<!tpu.dma_semaphore, #tpu.memory_space<semaphore_mem>>) src(%dma_wait3A_394 : memref<33554432xf32, #tpu.memory_space<hbm>>) dst(%dma_wait3A_390 : memref<128xf32, #tpu.memory_space<vmem>>)
      %dma_wait3A_395 = arith.constant 3840 : i32
      %dma_wait3A_396 = tpu.memref_slice %arg8[%dma_wait3A_395] : memref<4096xf32, #tpu.memory_space<vmem>> -> memref<128xf32, #tpu.memory_space<vmem>>
      %dma_wait3A_397 = arith.constant 3840 : i32
      %dma_wait3A_398 = tpu.memref_slice %arg7[%dma_wait3A_397] : memref<4096xi32, #tpu.memory_space<vmem>> -> memref<128xi32, #tpu.memory_space<vmem>>
      %dma_wait3A_399 = arith.constant 0 : i32
      %dma_wait3A_400 = tpu.memref_slice %arg2[%dma_wait3A_399] : memref<33554432xf32, #tpu.memory_space<hbm>> -> memref<33554432xf32, #tpu.memory_space<hbm>>
      tpu.wait_indirect_dma semaphore(%arg10 : memref<!tpu.dma_semaphore, #tpu.memory_space<semaphore_mem>>) src(%dma_wait3A_400 : memref<33554432xf32, #tpu.memory_space<hbm>>) dst(%dma_wait3A_396 : memref<128xf32, #tpu.memory_space<vmem>>)
      %dma_wait3A_401 = arith.constant 3968 : i32
      %dma_wait3A_402 = tpu.memref_slice %arg8[%dma_wait3A_401] : memref<4096xf32, #tpu.memory_space<vmem>> -> memref<128xf32, #tpu.memory_space<vmem>>
      %dma_wait3A_403 = arith.constant 3968 : i32
      %dma_wait3A_404 = tpu.memref_slice %arg7[%dma_wait3A_403] : memref<4096xi32, #tpu.memory_space<vmem>> -> memref<128xi32, #tpu.memory_space<vmem>>
      %dma_wait3A_405 = arith.constant 0 : i32
      %dma_wait3A_406 = tpu.memref_slice %arg2[%dma_wait3A_405] : memref<33554432xf32, #tpu.memory_space<hbm>> -> memref<33554432xf32, #tpu.memory_space<hbm>>
      tpu.wait_indirect_dma semaphore(%arg10 : memref<!tpu.dma_semaphore, #tpu.memory_space<semaphore_mem>>) src(%dma_wait3A_406 : memref<33554432xf32, #tpu.memory_space<hbm>>) dst(%dma_wait3A_402 : memref<128xf32, #tpu.memory_space<vmem>>)
      %scan3A_407 = arith.constant 0 : i32
      %scan3A_408 = arith.constant 0 : i32
      %scan3A_409 = arith.constant 64 : i32
      %scan3A_410 = arith.addi %scan3A_408, %scan3A_409 : i32
      %scan3A_411 = arith.constant 1 : i32
      %scan3A_412 = scf.for %scan3A_419 = %scan3A_408 to %scan3A_410 step %scan3A_411 iter_args(%scan3A_420 = %scan3A_407) -> (i32)  : i32 {
        %mul3A_421 = arith.constant 64 : i32
        %mul3A_422 = arith.muli %scan3A_419, %mul3A_421 : i32
        %get3A = arith.index_cast %mul3A_422 : i32 to index
        %get3A_423 = tpu.vector_load %arg8[%get3A] {strides = array<i32>} : memref<4096xf32, #tpu.memory_space<vmem>>, vector<16xf32>,
        %mul3A_424 = arith.constant 64 : i32
        %mul3A_425 = arith.muli %scan3A_419, %mul3A_424 : i32
        %add3A_426 = arith.constant 16 : i32
        %add3A_427 = arith.addi %mul3A_425, %add3A_426 : i32
        %get3A_428 = arith.index_cast %add3A_427 : i32 to index
        %get3A_429 = tpu.vector_load %arg8[%get3A_428] {strides = array<i32>} : memref<4096xf32, #tpu.memory_space<vmem>>, vector<16xf32>,
        %jit3A = arith.constant 1.000000e+30 : f32
        %broadcast_in_dim3A = vector.broadcast %jit3A : f32 to vector<16xf32>
        %select_n3A = arith.select %ge3A_2, %broadcast_in_dim3A, %get3A_429 : vector<16xi1>, vector<16xf32>
        %masked_sort3A = arith.constant dense<true> : vector<16xi1>
        %masked_sort3A_430, %masked_sort3A_431, %masked_sort3A_432 = tpu.sort %get3A_423, %get3A_423 masked %masked_sort3A : (vector<16xf32>, vector<16xf32>, vector<16xi1>) -> (vector<16xi1>, vector<16xf32>, vector<16xf32>)
        %masked_sort3A_433 = arith.constant dense<true> : vector<16xi1>
        %masked_sort3A_434, %masked_sort3A_435, %masked_sort3A_436 = tpu.sort %select_n3A, %select_n3A masked %masked_sort3A_433 : (vector<16xf32>, vector<16xf32>, vector<16xi1>) -> (vector<16xi1>, vector<16xf32>, vector<16xf32>)
        %rev3A = arith.constant 15 : i32
        %rev3A_437 = vector.broadcast %rev3A : i32 to vector<16xi32>
        %rev3A_438 = tpu.iota {dimensions = array<i32: 0>} : vector<16xi32>
        %rev3A_439 = arith.subi %rev3A_437, %rev3A_438 : vector<16xi32>
        %rev3A_440 = tpu.dynamic_gather %masked_sort3A_435[%rev3A_439] in [0] : vector<16xf32>, vector<16xi32> -> vector<16xf32>
        %min3A = arith.minimumf %masked_sort3A_431, %rev3A_440 : vector<16xf32>
        %masked_sort3A_441 = arith.constant dense<true> : vector<16xi1>
        %masked_sort3A_442, %masked_sort3A_443, %masked_sort3A_444 = tpu.sort %min3A, %min3A masked %masked_sort3A_441 : (vector<16xf32>, vector<16xf32>, vector<16xi1>) -> (vector<16xi1>, vector<16xf32>, vector<16xf32>)
        %max3A = arith.maximumf %masked_sort3A_431, %rev3A_440 : vector<16xf32>
        %masked_sort3A_445 = arith.constant dense<true> : vector<16xi1>
        %masked_sort3A_446, %masked_sort3A_447, %masked_sort3A_448 = tpu.sort %max3A, %max3A masked %masked_sort3A_445 : (vector<16xf32>, vector<16xf32>, vector<16xi1>) -> (vector<16xi1>, vector<16xf32>, vector<16xf32>)
        %jit3A_449 = arith.constant 0.000000e+00 : f32
        %broadcast_in_dim3A_450 = vector.broadcast %jit3A_449 : f32 to vector<16xf32>
        %select_n3A_451 = arith.select %ge3A_2, %broadcast_in_dim3A_450, %masked_sort3A_447 : vector<16xi1>, vector<16xf32>
        %mul3A_452 = arith.constant 64 : i32
        %mul3A_453 = arith.muli %scan3A_419, %mul3A_452 : i32
        %add3A_454 = arith.constant 32 : i32
        %add3A_455 = arith.addi %mul3A_453, %add3A_454 : i32
        %get3A_456 = arith.index_cast %add3A_455 : i32 to index
        %get3A_457 = tpu.vector_load %arg8[%get3A_456] {strides = array<i32>} : memref<4096xf32, #tpu.memory_space<vmem>>, vector<16xf32>,
        %mul3A_458 = arith.constant 64 : i32
        %mul3A_459 = arith.muli %scan3A_419, %mul3A_458 : i32
        %add3A_460 = arith.constant 48 : i32
        %add3A_461 = arith.addi %mul3A_459, %add3A_460 : i32
        %get3A_462 = arith.index_cast %add3A_461 : i32 to index
        %get3A_463 = tpu.vector_load %arg8[%get3A_462] {strides = array<i32>} : memref<4096xf32, #tpu.memory_space<vmem>>, vector<16xf32>,
        %jit3A_464 = arith.constant 1.000000e+30 : f32
        %broadcast_in_dim3A_465 = vector.broadcast %jit3A_464 : f32 to vector<16xf32>
        %select_n3A_466 = arith.select %ge3A_2, %broadcast_in_dim3A_465, %get3A_463 : vector<16xi1>, vector<16xf32>
        %masked_sort3A_467 = arith.constant dense<true> : vector<16xi1>
        %masked_sort3A_468, %masked_sort3A_469, %masked_sort3A_470 = tpu.sort %get3A_457, %get3A_457 masked %masked_sort3A_467 : (vector<16xf32>, vector<16xf32>, vector<16xi1>) -> (vector<16xi1>, vector<16xf32>, vector<16xf32>)
        %masked_sort3A_471 = arith.constant dense<true> : vector<16xi1>
        %masked_sort3A_472, %masked_sort3A_473, %masked_sort3A_474 = tpu.sort %select_n3A_466, %select_n3A_466 masked %masked_sort3A_471 : (vector<16xf32>, vector<16xf32>, vector<16xi1>) -> (vector<16xi1>, vector<16xf32>, vector<16xf32>)
        %rev3A_475 = arith.constant 15 : i32
        %rev3A_476 = vector.broadcast %rev3A_475 : i32 to vector<16xi32>
        %rev3A_477 = tpu.iota {dimensions = array<i32: 0>} : vector<16xi32>
        %rev3A_478 = arith.subi %rev3A_476, %rev3A_477 : vector<16xi32>
        %rev3A_479 = tpu.dynamic_gather %masked_sort3A_473[%rev3A_478] in [0] : vector<16xf32>, vector<16xi32> -> vector<16xf32>
        %min3A_480 = arith.minimumf %masked_sort3A_469, %rev3A_479 : vector<16xf32>
        %masked_sort3A_481 = arith.constant dense<true> : vector<16xi1>
        %masked_sort3A_482, %masked_sort3A_483, %masked_sort3A_484 = tpu.sort %min3A_480, %min3A_480 masked %masked_sort3A_481 : (vector<16xf32>, vector<16xf32>, vector<16xi1>) -> (vector<16xi1>, vector<16xf32>, vector<16xf32>)
        %max3A_485 = arith.maximumf %masked_sort3A_469, %rev3A_479 : vector<16xf32>
        %masked_sort3A_486 = arith.constant dense<true> : vector<16xi1>
        %masked_sort3A_487, %masked_sort3A_488, %masked_sort3A_489 = tpu.sort %max3A_485, %max3A_485 masked %masked_sort3A_486 : (vector<16xf32>, vector<16xf32>, vector<16xi1>) -> (vector<16xi1>, vector<16xf32>, vector<16xf32>)
        %jit3A_490 = arith.constant 0.000000e+00 : f32
        %broadcast_in_dim3A_491 = vector.broadcast %jit3A_490 : f32 to vector<16xf32>
        %select_n3A_492 = arith.select %ge3A_2, %broadcast_in_dim3A_491, %masked_sort3A_488 : vector<16xi1>, vector<16xf32>
        %mul3A_493 = arith.constant 32 : i32
        %mul3A_494 = arith.muli %scan3A_419, %mul3A_493 : i32
        %swap3A = arith.index_cast %mul3A_494 : i32 to index
        %swap3A_495 = tpu.vector_load %arg9[%swap3A] {strides = array<i32>} : memref<4096xf32, #tpu.memory_space<vmem>>, vector<16xf32>,
        tpu.vector_store %arg9[%swap3A], %masked_sort3A_443 {strides = array<i32>} : memref<4096xf32, #tpu.memory_space<vmem>>, vector<16xf32>,
        %mul3A_496 = arith.constant 32 : i32
        %mul3A_497 = arith.muli %scan3A_419, %mul3A_496 : i32
        %add3A_498 = arith.constant 16 : i32
        %add3A_499 = arith.addi %mul3A_497, %add3A_498 : i32
        %swap3A_500 = arith.index_cast %add3A_499 : i32 to index
        %swap3A_501 = tpu.vector_load %arg9[%swap3A_500] {strides = array<i32>} : memref<4096xf32, #tpu.memory_space<vmem>>, vector<16xf32>,
        tpu.vector_store %arg9[%swap3A_500], %select_n3A_451 {strides = array<i32>} : memref<4096xf32, #tpu.memory_space<vmem>>, vector<16xf32>,
        %mul3A_502 = arith.constant 32 : i32
        %mul3A_503 = arith.muli %scan3A_419, %mul3A_502 : i32
        %add3A_504 = arith.constant 2048 : i32
        %add3A_505 = arith.addi %add3A_504, %mul3A_503 : i32
        %swap3A_506 = arith.index_cast %add3A_505 : i32 to index
        %swap3A_507 = tpu.vector_load %arg9[%swap3A_506] {strides = array<i32>} : memref<4096xf32, #tpu.memory_space<vmem>>, vector<16xf32>,
        tpu.vector_store %arg9[%swap3A_506], %masked_sort3A_483 {strides = array<i32>} : memref<4096xf32, #tpu.memory_space<vmem>>, vector<16xf32>,
        %mul3A_508 = arith.constant 32 : i32
        %mul3A_509 = arith.muli %scan3A_419, %mul3A_508 : i32
        %add3A_510 = arith.constant 2048 : i32
        %add3A_511 = arith.addi %add3A_510, %mul3A_509 : i32
        %add3A_512 = arith.constant 16 : i32
        %add3A_513 = arith.addi %add3A_511, %add3A_512 : i32
        %swap3A_514 = arith.index_cast %add3A_513 : i32 to index
        %swap3A_515 = tpu.vector_load %arg9[%swap3A_514] {strides = array<i32>} : memref<4096xf32, #tpu.memory_space<vmem>>, vector<16xf32>,
        tpu.vector_store %arg9[%swap3A_514], %select_n3A_492 {strides = array<i32>} : memref<4096xf32, #tpu.memory_space<vmem>>, vector<16xf32>,
        %scan3A_516 = arith.constant 0 : i32
        scf.yield %scan3A_516 : i32
      }
      %scan3A_413 = arith.constant 64 : i32
      %mul3A_414 = arith.constant 32 : i32
      %mul3A_415 = arith.muli %add3A_15, %mul3A_414 : i32
      "tpu.region"() ({
        %run_scoped3A = tpu.sem_alloc : memref<!tpu.dma_semaphore, #tpu.memory_space<semaphore_mem>>
        %dma_start3A_419 = arith.constant 0 : i32
        %dma_start3A_420 = tpu.memref_slice %arg9[%dma_start3A_419] : memref<4096xf32, #tpu.memory_space<vmem>> -> memref<2048xf32, #tpu.memory_space<vmem>>
        %dma_start3A_421 = tpu.memref_slice %arg4[%mul3A_415] : memref<1048576xf32, #tpu.memory_space<hbm>> -> memref<2048xf32, #tpu.memory_space<hbm>>
        %dma_start3A_422 = tpu.memref_slice %arg4[%mul3A_415] : memref<1048576xf32, #tpu.memory_space<hbm>> -> memref<2048xf32, #tpu.memory_space<hbm>>
        %dma_start3A_423 = arith.constant 0 : i32
        %dma_start3A_424 = tpu.memref_slice %arg9[%dma_start3A_423] : memref<4096xf32, #tpu.memory_space<vmem>> -> memref<2048xf32, #tpu.memory_space<vmem>>
        tpu.enqueue_dma source(%dma_start3A_424 : memref<2048xf32, #tpu.memory_space<vmem>>) target(%dma_start3A_422 : memref<2048xf32, #tpu.memory_space<hbm>>) target_semaphore(%run_scoped3A : memref<!tpu.dma_semaphore, #tpu.memory_space<semaphore_mem>>)
        %dma_wait3A_425 = arith.constant 0 : i32
        %dma_wait3A_426 = tpu.memref_slice %arg9[%dma_wait3A_425] : memref<4096xf32, #tpu.memory_space<vmem>> -> memref<2048xf32, #tpu.memory_space<vmem>>
        %dma_wait3A_427 = tpu.memref_slice %arg4[%mul3A_415] : memref<1048576xf32, #tpu.memory_space<hbm>> -> memref<2048xf32, #tpu.memory_space<hbm>>
        %dma_wait3A_428 = tpu.memref_slice %arg4[%mul3A_415] : memref<1048576xf32, #tpu.memory_space<hbm>> -> memref<2048xf32, #tpu.memory_space<hbm>>
        %dma_wait3A_429 = arith.constant 0 : i32
        %dma_wait3A_430 = tpu.memref_slice %arg9[%dma_wait3A_429] : memref<4096xf32, #tpu.memory_space<vmem>> -> memref<2048xf32, #tpu.memory_space<vmem>>
        tpu.wait_dma2 semaphore(%run_scoped3A : memref<!tpu.dma_semaphore, #tpu.memory_space<semaphore_mem>>) src(%dma_wait3A_430 : memref<2048xf32, #tpu.memory_space<vmem>>) dst(%dma_wait3A_428 : memref<2048xf32, #tpu.memory_space<hbm>>)
        tpu.yield
      }) : () -> ()
      %mul3A_416 = arith.constant 32 : i32
      %mul3A_417 = arith.muli %add3A_15, %mul3A_416 : i32
      "tpu.region"() ({
        %run_scoped3A = tpu.sem_alloc : memref<!tpu.dma_semaphore, #tpu.memory_space<semaphore_mem>>
        %dma_start3A_419 = arith.constant 2048 : i32
        %dma_start3A_420 = tpu.memref_slice %arg9[%dma_start3A_419] : memref<4096xf32, #tpu.memory_space<vmem>> -> memref<2048xf32, #tpu.memory_space<vmem>>
        %dma_start3A_421 = tpu.memref_slice %arg5[%mul3A_417] : memref<1048576xf32, #tpu.memory_space<hbm>> -> memref<2048xf32, #tpu.memory_space<hbm>>
        %dma_start3A_422 = tpu.memref_slice %arg5[%mul3A_417] : memref<1048576xf32, #tpu.memory_space<hbm>> -> memref<2048xf32, #tpu.memory_space<hbm>>
        %dma_start3A_423 = arith.constant 2048 : i32
        %dma_start3A_424 = tpu.memref_slice %arg9[%dma_start3A_423] : memref<4096xf32, #tpu.memory_space<vmem>> -> memref<2048xf32, #tpu.memory_space<vmem>>
        tpu.enqueue_dma source(%dma_start3A_424 : memref<2048xf32, #tpu.memory_space<vmem>>) target(%dma_start3A_422 : memref<2048xf32, #tpu.memory_space<hbm>>) target_semaphore(%run_scoped3A : memref<!tpu.dma_semaphore, #tpu.memory_space<semaphore_mem>>)
        %dma_wait3A_425 = arith.constant 2048 : i32
        %dma_wait3A_426 = tpu.memref_slice %arg9[%dma_wait3A_425] : memref<4096xf32, #tpu.memory_space<vmem>> -> memref<2048xf32, #tpu.memory_space<vmem>>
        %dma_wait3A_427 = tpu.memref_slice %arg5[%mul3A_417] : memref<1048576xf32, #tpu.memory_space<hbm>> -> memref<2048xf32, #tpu.memory_space<hbm>>
        %dma_wait3A_428 = tpu.memref_slice %arg5[%mul3A_417] : memref<1048576xf32, #tpu.memory_space<hbm>> -> memref<2048xf32, #tpu.memory_space<hbm>>
        %dma_wait3A_429 = arith.constant 2048 : i32
        %dma_wait3A_430 = tpu.memref_slice %arg9[%dma_wait3A_429] : memref<4096xf32, #tpu.memory_space<vmem>> -> memref<2048xf32, #tpu.memory_space<vmem>>
        tpu.wait_dma2 semaphore(%run_scoped3A : memref<!tpu.dma_semaphore, #tpu.memory_space<semaphore_mem>>) src(%dma_wait3A_430 : memref<2048xf32, #tpu.memory_space<vmem>>) dst(%dma_wait3A_428 : memref<2048xf32, #tpu.memory_space<hbm>>)
        tpu.yield
      }) : () -> ()
      %scan3A_418 = arith.constant 0 : i32
      scf.yield %scan3A_418 : i32
    }
    %scan3A_8 = arith.constant 16 : i32
    return
  }
}

module attributes {stable_mosaic.version = 14 : i64} {
  func.func @_stage1_body(%arg0: i32, %arg1: i32, %arg2: memref<1x1024x1024xf32, #tpu.memory_space<vmem>>, %arg3: memref<1x1024x1024xf32, #tpu.memory_space<vmem>>, %arg4: memref<1x1024x32xi32, #tpu.memory_space<vmem>>) attributes {dimension_semantics = [#tpu.dimension_semantics<arbitrary>, #tpu.dimension_semantics<arbitrary>], iteration_bounds = array<i64: 32, 1>, scalar_prefetch = 0 : i64, scratch_operands = 0 : i64, tpu.core_type = #tpu.core_type<tc>, window_params = [{transform_indices = @transform_0, window_bounds = array<i64: 1, 1024, 1024>}, {transform_indices = @transform_1, window_bounds = array<i64: 1, 1024, 1024>}, {transform_indices = @transform_2, window_bounds = array<i64: 1, 1024, 32>}]} {
    %mul3A = arith.constant 1024 : i32
    %mul3A_0 = arith.muli %arg1, %mul3A : i32
    %get3A = arith.constant 0 : index
    %get3A_1 = arith.constant 0 : index
    %get3A_2 = arith.constant 0 : index
    %get3A_3 = vector.load %arg2[%get3A, %get3A_1, %get3A_2] : memref<1x1024x1024xf32, #tpu.memory_space<vmem>>, vector<1x1024x1024xf32>
    %get3A_4 = vector.shape_cast %get3A_3 : vector<1x1024x1024xf32> to vector<1024x1024xf32>
    %get3A_5 = arith.constant 0 : index
    %get3A_6 = arith.constant 0 : index
    %get3A_7 = arith.constant 0 : index
    %get3A_8 = vector.load %arg3[%get3A_5, %get3A_6, %get3A_7] : memref<1x1024x1024xf32, #tpu.memory_space<vmem>>, vector<1x1024x1024xf32>
    %get3A_9 = vector.shape_cast %get3A_8 : vector<1x1024x1024xf32> to vector<1024x1024xf32>
    %iota3A = tpu.iota {dimensions = array<i32: 1>} : vector<1024x1024xi32>
    %iota3A_10 = tpu.iota {dimensions = array<i32: 0>} : vector<1024x1024xi32>
    %add3A = vector.broadcast %mul3A_0 : i32 to vector<1024x1024xi32>
    %add3A_11 = arith.addi %add3A, %iota3A_10 : vector<1024x1024xi32>
    %eq3A = arith.cmpi eq, %iota3A, %add3A_11 : vector<1024x1024xi32>
    %jit3A = arith.constant 1.000000e+06 : f32
    %broadcast_in_dim3A = vector.broadcast %jit3A : f32 to vector<1024x1024xf32>
    %select_n3A = arith.select %eq3A, %broadcast_in_dim3A, %get3A_4 : vector<1024x1024xi1>, vector<1024x1024xf32>
    %add3A_12 = arith.constant 9.99999997E-7 : f32
    %add3A_13 = vector.broadcast %add3A_12 : f32 to vector<1024x1024xf32>
    %add3A_14 = arith.addf %select_n3A, %add3A_13 : vector<1024x1024xf32>
    %div3A = arith.divf %get3A_9, %add3A_14 : vector<1024x1024xf32>
    %iota3A_15 = tpu.iota {dimensions = array<i32: 1>} : vector<1024x32xi32>
    %broadcast_in_dim3A_16 = arith.constant 0 : i32
    %broadcast_in_dim3A_17 = vector.broadcast %broadcast_in_dim3A_16 : i32 to vector<1024x32xi32>
    %scan3A = arith.constant 0 : i32
    %scan3A_18 = arith.constant 25 : i32
    %scan3A_19 = arith.addi %scan3A, %scan3A_18 : i32
    %scan3A_20 = arith.constant 1 : i32
    %scan3A_21:2 = scf.for %scan3A_28 = %scan3A to %scan3A_19 step %scan3A_20 iter_args(%scan3A_29 = %div3A, %scan3A_30 = %broadcast_in_dim3A_17) -> (vector<1024x1024xf32>, vector<1024x32xi32>)  : i32 {
      %reduce_max3A = arith.constant dense<0xFF800000> : vector<1024xf32>
      %reduce_max3A_31 = vector.multi_reduction <maximumf>, %scan3A_29, %reduce_max3A [1] : vector<1024x1024xf32> to vector<1024xf32>
      %broadcast_in_dim3A_32 = vector.shape_cast %reduce_max3A_31 : vector<1024xf32> to vector<1024x1xf32>
      %ge3A = vector.broadcast %broadcast_in_dim3A_32 : vector<1024x1xf32> to vector<1024x1024xf32>
      %ge3A_33 = arith.cmpf oge, %scan3A_29, %ge3A : vector<1024x1024xf32>
      %jit3A_34 = arith.constant 1024 : i32
      %broadcast_in_dim3A_35 = vector.broadcast %jit3A_34 : i32 to vector<1024x1024xi32>
      %select_n3A_36 = arith.select %ge3A_33, %iota3A, %broadcast_in_dim3A_35 : vector<1024x1024xi1>, vector<1024x1024xi32>
      %reduce_min3A = arith.constant dense<2147483647> : vector<1024xi32>
      %reduce_min3A_37 = vector.multi_reduction <minsi>, %select_n3A_36, %reduce_min3A [1] : vector<1024x1024xi32> to vector<1024xi32>
      %broadcast_in_dim3A_38 = vector.shape_cast %reduce_min3A_37 : vector<1024xi32> to vector<1024x1xi32>
      %eq3A_39 = vector.broadcast %scan3A_28 : i32 to vector<1024x32xi32>
      %eq3A_40 = arith.cmpi eq, %iota3A_15, %eq3A_39 : vector<1024x32xi32>
      %broadcast_in_dim3A_41 = vector.shape_cast %broadcast_in_dim3A_38 : vector<1024x1xi32> to vector<1024x1xi32>
      %broadcast_in_dim3A_42 = vector.broadcast %broadcast_in_dim3A_41 : vector<1024x1xi32> to vector<1024x32xi32>
      %select_n3A_43 = arith.select %eq3A_40, %broadcast_in_dim3A_42, %scan3A_30 : vector<1024x32xi1>, vector<1024x32xi32>
      %eq3A_44 = vector.broadcast %broadcast_in_dim3A_38 : vector<1024x1xi32> to vector<1024x1024xi32>
      %eq3A_45 = arith.cmpi eq, %select_n3A_36, %eq3A_44 : vector<1024x1024xi32>
      %jit3A_46 = arith.constant -1.000000e+00 : f32
      %broadcast_in_dim3A_47 = vector.broadcast %jit3A_46 : f32 to vector<1024x1024xf32>
      %select_n3A_48 = arith.select %eq3A_45, %broadcast_in_dim3A_47, %scan3A_29 : vector<1024x1024xi1>, vector<1024x1024xf32>
      scf.yield %select_n3A_48, %select_n3A_43 : vector<1024x1024xf32>, vector<1024x32xi32>
    }
    %scan3A_22 = arith.constant 25 : i32
    %swap3A = arith.constant 0 : index
    %swap3A_23 = arith.constant 0 : index
    %swap3A_24 = arith.constant 0 : index
    %swap3A_25 = vector.load %arg4[%swap3A, %swap3A_23, %swap3A_24] : memref<1x1024x32xi32, #tpu.memory_space<vmem>>, vector<1x1024x32xi32>
    %swap3A_26 = vector.shape_cast %swap3A_25 : vector<1x1024x32xi32> to vector<1024x32xi32>
    %swap3A_27 = vector.shape_cast %scan3A_21#1 : vector<1024x32xi32> to vector<1x1024x32xi32>
    tpu.vector_store %arg4[%swap3A, %swap3A_23, %swap3A_24], %swap3A_27 {strides = array<i32>} : memref<1x1024x32xi32, #tpu.memory_space<vmem>>, vector<1x1024x32xi32>,
    return
  }
  func.func @transform_0(%arg0: i32, %arg1: i32) -> (i32, i32, i32) {
    %c0_i32 = arith.constant 0 : i32
    %c0_i32_0 = arith.constant 0 : i32
    return %arg0, %arg1, %c0_i32 : i32, i32, i32
  }
  func.func @transform_1(%arg0: i32, %arg1: i32) -> (i32, i32, i32) {
    %c0_i32 = arith.constant 0 : i32
    %c0_i32_0 = arith.constant 0 : i32
    return %arg0, %arg1, %c0_i32 : i32, i32, i32
  }
  func.func @transform_2(%arg0: i32, %arg1: i32) -> (i32, i32, i32) {
    %c0_i32 = arith.constant 0 : i32
    %c0_i32_0 = arith.constant 0 : i32
    return %arg0, %arg1, %c0_i32 : i32, i32, i32
  }
}

module attributes {stable_mosaic.version = 14 : i64} {
  func.func @_stage2_body(%arg0: i32, %arg1: memref<1x1024x8xf32, #tpu.memory_space<vmem>>, %arg2: memref<1x1024x32xf32, #tpu.memory_space<vmem>>, %arg3: memref<1x1024x32xf32, #tpu.memory_space<vmem>>, %arg4: memref<8x128xf32, #tpu.memory_space<vmem>>, %arg5: memref<32x128xf32, #tpu.memory_space<vmem>>, %arg6: memref<32x128xf32, #tpu.memory_space<vmem>>, %arg7: memref<128x256xf32, #tpu.memory_space<vmem>>, %arg8: memref<128x256xf32, #tpu.memory_space<vmem>>, %arg9: memref<128x256xf32, #tpu.memory_space<vmem>>, %arg10: memref<128x256xf32, #tpu.memory_space<vmem>>, %arg11: memref<8x256xf32, #tpu.memory_space<vmem>>, %arg12: memref<8x128xf32, #tpu.memory_space<vmem>>, %arg13: memref<1x1024x128xf32, #tpu.memory_space<vmem>>, %arg14: memref<1x1024x128xf32, #tpu.memory_space<vmem>>) attributes {dimension_semantics = [#tpu.dimension_semantics<arbitrary>], iteration_bounds = array<i64: 32>, scalar_prefetch = 0 : i64, scratch_operands = 0 : i64, tpu.core_type = #tpu.core_type<tc>, window_params = [{transform_indices = @transform_0, window_bounds = array<i64: 1, 1024, 8>}, {transform_indices = @transform_1, window_bounds = array<i64: 1, 1024, 32>}, {transform_indices = @transform_2, window_bounds = array<i64: 1, 1024, 32>}, {pipeline_mode = #tpu.pipeline_mode<synchronous>, transform_indices = @transform_3, window_bounds = array<i64: 8, 128>}, {pipeline_mode = #tpu.pipeline_mode<synchronous>, transform_indices = @transform_4, window_bounds = array<i64: 32, 128>}, {pipeline_mode = #tpu.pipeline_mode<synchronous>, transform_indices = @transform_5, window_bounds = array<i64: 32, 128>}, {pipeline_mode = #tpu.pipeline_mode<synchronous>, transform_indices = @transform_6, window_bounds = array<i64: 128, 256>}, {pipeline_mode = #tpu.pipeline_mode<synchronous>, transform_indices = @transform_7, window_bounds = array<i64: 128, 256>}, {pipeline_mode = #tpu.pipeline_mode<synchronous>, transform_indices = @transform_8, window_bounds = array<i64: 128, 256>}, {pipeline_mode = #tpu.pipeline_mode<synchronous>, transform_indices = @transform_9, window_bounds = array<i64: 128, 256>}, {pipeline_mode = #tpu.pipeline_mode<synchronous>, transform_indices = @transform_10, window_bounds = array<i64: 8, 256>}, {pipeline_mode = #tpu.pipeline_mode<synchronous>, transform_indices = @transform_11, window_bounds = array<i64: 8, 128>}, {transform_indices = @transform_12, window_bounds = array<i64: 1, 1024, 128>}, {transform_indices = @transform_13, window_bounds = array<i64: 1, 1024, 128>}]} {
    %get3A = arith.constant 0 : index
    %get3A_0 = arith.constant 0 : index
    %get3A_1 = vector.load %arg11[%get3A, %get3A_0] : memref<8x256xf32, #tpu.memory_space<vmem>>, vector<8x256xf32>
    %get3A_2 = arith.constant 0 : index
    %get3A_3 = arith.constant 0 : index
    %get3A_4 = vector.load %arg12[%get3A_2, %get3A_3] : memref<8x128xf32, #tpu.memory_space<vmem>>, vector<8x128xf32>
    %get3A_5 = arith.constant 0 : index
    %get3A_6 = arith.constant 0 : index
    %get3A_7 = arith.constant 0 : index
    %get3A_8 = vector.load %arg1[%get3A_5, %get3A_6, %get3A_7] : memref<1x1024x8xf32, #tpu.memory_space<vmem>>, vector<1x1024x8xf32>
    %get3A_9 = vector.shape_cast %get3A_8 : vector<1x1024x8xf32> to vector<1024x8xf32>
    %get3A_10 = arith.constant 0 : index
    %get3A_11 = arith.constant 0 : index
    %get3A_12 = vector.load %arg4[%get3A_10, %get3A_11] : memref<8x128xf32, #tpu.memory_space<vmem>>, vector<8x128xf32>
    %dot_general3A = arith.constant dense<0.000000e+00> : vector<1024x128xf32>
    %dot_general3A_13 = tpu.matmul %get3A_9, %get3A_12, %dot_general3A {dimension_numbers = #tpu.dot_dimension_numbers<[1], [0], [0], [1], [0, 0, 1, 1], [], []>, transpose_lhs_hint = false} : vector<1024x8xf32>, vector<8x128xf32>, vector<1024x128xf32> -> vector<1024x128xf32>
    %slice3A = vector.extract_strided_slice %get3A_4 {offsets = [0, 0], sizes = [1, 128], strides = [1, 1]} : vector<8x128xf32> to vector<1x128xf32>
    %add3A = vector.broadcast %slice3A : vector<1x128xf32> to vector<1024x128xf32>
    %add3A_14 = arith.addf %dot_general3A_13, %add3A : vector<1024x128xf32>
    %get3A_15 = arith.constant 0 : index
    %get3A_16 = arith.constant 0 : index
    %get3A_17 = arith.constant 0 : index
    %get3A_18 = vector.load %arg2[%get3A_15, %get3A_16, %get3A_17] : memref<1x1024x32xf32, #tpu.memory_space<vmem>>, vector<1x1024x32xf32>
    %get3A_19 = vector.shape_cast %get3A_18 : vector<1x1024x32xf32> to vector<1024x32xf32>
    %get3A_20 = arith.constant 0 : index
    %get3A_21 = arith.constant 0 : index
    %get3A_22 = vector.load %arg5[%get3A_20, %get3A_21] : memref<32x128xf32, #tpu.memory_space<vmem>>, vector<32x128xf32>
    %dot_general3A_23 = arith.constant dense<0.000000e+00> : vector<1024x128xf32>
    %dot_general3A_24 = tpu.matmul %get3A_19, %get3A_22, %dot_general3A_23 {dimension_numbers = #tpu.dot_dimension_numbers<[1], [0], [0], [1], [0, 0, 1, 1], [], []>, transpose_lhs_hint = false} : vector<1024x32xf32>, vector<32x128xf32>, vector<1024x128xf32> -> vector<1024x128xf32>
    %slice3A_25 = vector.extract_strided_slice %get3A_4 {offsets = [1, 0], sizes = [1, 128], strides = [1, 1]} : vector<8x128xf32> to vector<1x128xf32>
    %add3A_26 = vector.broadcast %slice3A_25 : vector<1x128xf32> to vector<1024x128xf32>
    %add3A_27 = arith.addf %dot_general3A_24, %add3A_26 : vector<1024x128xf32>
    %get3A_28 = arith.constant 0 : index
    %get3A_29 = arith.constant 0 : index
    %get3A_30 = arith.constant 0 : index
    %get3A_31 = vector.load %arg3[%get3A_28, %get3A_29, %get3A_30] : memref<1x1024x32xf32, #tpu.memory_space<vmem>>, vector<1x1024x32xf32>
    %get3A_32 = vector.shape_cast %get3A_31 : vector<1x1024x32xf32> to vector<1024x32xf32>
    %get3A_33 = arith.constant 0 : index
    %get3A_34 = arith.constant 0 : index
    %get3A_35 = vector.load %arg6[%get3A_33, %get3A_34] : memref<32x128xf32, #tpu.memory_space<vmem>>, vector<32x128xf32>
    %dot_general3A_36 = arith.constant dense<0.000000e+00> : vector<1024x128xf32>
    %dot_general3A_37 = tpu.matmul %get3A_32, %get3A_35, %dot_general3A_36 {dimension_numbers = #tpu.dot_dimension_numbers<[1], [0], [0], [1], [0, 0, 1, 1], [], []>, transpose_lhs_hint = false} : vector<1024x32xf32>, vector<32x128xf32>, vector<1024x128xf32> -> vector<1024x128xf32>
    %slice3A_38 = vector.extract_strided_slice %get3A_4 {offsets = [2, 0], sizes = [1, 128], strides = [1, 1]} : vector<8x128xf32> to vector<1x128xf32>
    %add3A_39 = vector.broadcast %slice3A_38 : vector<1x128xf32> to vector<1024x128xf32>
    %add3A_40 = arith.addf %dot_general3A_37, %add3A_39 : vector<1024x128xf32>
    %get3A_41 = arith.constant 0 : index
    %get3A_42 = arith.constant 0 : index
    %get3A_43 = vector.load %arg7[%get3A_41, %get3A_42] : memref<128x256xf32, #tpu.memory_space<vmem>>, vector<128x256xf32>
    %get3A_44 = arith.constant 0 : index
    %get3A_45 = arith.constant 0 : index
    %get3A_46 = vector.load %arg8[%get3A_44, %get3A_45] : memref<128x256xf32, #tpu.memory_space<vmem>>, vector<128x256xf32>
    %dot_general3A_47 = arith.constant dense<0.000000e+00> : vector<1024x256xf32>
    %dot_general3A_48 = tpu.matmul %add3A_14, %get3A_43, %dot_general3A_47 {dimension_numbers = #tpu.dot_dimension_numbers<[1], [0], [0], [1], [0, 0, 1, 1], [], []>, transpose_lhs_hint = false} : vector<1024x128xf32>, vector<128x256xf32>, vector<1024x256xf32> -> vector<1024x256xf32>
    %dot_general3A_49 = arith.constant dense<0.000000e+00> : vector<1024x256xf32>
    %dot_general3A_50 = tpu.matmul %add3A_27, %get3A_46, %dot_general3A_49 {dimension_numbers = #tpu.dot_dimension_numbers<[1], [0], [0], [1], [0, 0, 1, 1], [], []>, transpose_lhs_hint = false} : vector<1024x128xf32>, vector<128x256xf32>, vector<1024x256xf32> -> vector<1024x256xf32>
    %add3A_51 = arith.addf %dot_general3A_48, %dot_general3A_50 : vector<1024x256xf32>
    %slice3A_52 = vector.extract_strided_slice %get3A_1 {offsets = [0, 0], sizes = [1, 256], strides = [1, 1]} : vector<8x256xf32> to vector<1x256xf32>
    %add3A_53 = vector.broadcast %slice3A_52 : vector<1x256xf32> to vector<1024x256xf32>
    %add3A_54 = arith.addf %add3A_51, %add3A_53 : vector<1024x256xf32>
    %max3A = arith.constant 0.000000e+00 : f32
    %max3A_55 = vector.broadcast %max3A : f32 to vector<1024x256xf32>
    %max3A_56 = arith.maximumf %add3A_54, %max3A_55 : vector<1024x256xf32>
    %slice3A_57 = vector.extract_strided_slice %get3A_1 {offsets = [2, 0], sizes = [1, 256], strides = [1, 1]} : vector<8x256xf32> to vector<1x256xf32>
    %mul3A = vector.broadcast %slice3A_57 : vector<1x256xf32> to vector<1024x256xf32>
    %mul3A_58 = arith.mulf %max3A_56, %mul3A : vector<1024x256xf32>
    %reduce_sum3A = arith.constant dense<0.000000e+00> : vector<1024xf32>
    %reduce_sum3A_59 = vector.multi_reduction <add>, %mul3A_58, %reduce_sum3A [1] : vector<1024x256xf32> to vector<1024xf32>
    %broadcast_in_dim3A = vector.shape_cast %reduce_sum3A_59 : vector<1024xf32> to vector<1024x1xf32>
    %slice3A_60 = vector.extract_strided_slice %get3A_1 {offsets = [4, 0], sizes = [1, 1], strides = [1, 1]} : vector<8x256xf32> to vector<1x1xf32>
    %add3A_61 = vector.broadcast %slice3A_60 : vector<1x1xf32> to vector<1024x1xf32>
    %add3A_62 = arith.addf %broadcast_in_dim3A, %add3A_61 : vector<1024x1xf32>
    %logistic3A = arith.negf %add3A_62 : vector<1024x1xf32>
    %logistic3A_63 = math.exp %logistic3A : vector<1024x1xf32>
    %logistic3A_64 = arith.constant 1.000000e+00 : f32
    %logistic3A_65 = vector.broadcast %logistic3A_64 : f32 to vector<1024x1xf32>
    %logistic3A_66 = arith.addf %logistic3A_65, %logistic3A_63 : vector<1024x1xf32>
    %logistic3A_67 = arith.divf %logistic3A_65, %logistic3A_66 : vector<1024x1xf32>
    %mul3A_68 = vector.broadcast %logistic3A_67 : vector<1024x1xf32> to vector<1024x128xf32>
    %mul3A_69 = arith.mulf %mul3A_68, %add3A_14 : vector<1024x128xf32>
    %sub3A = arith.constant 1.000000e+00 : f32
    %sub3A_70 = vector.broadcast %sub3A : f32 to vector<1024x1xf32>
    %sub3A_71 = arith.subf %sub3A_70, %logistic3A_67 : vector<1024x1xf32>
    %mul3A_72 = vector.broadcast %sub3A_71 : vector<1024x1xf32> to vector<1024x128xf32>
    %mul3A_73 = arith.mulf %mul3A_72, %add3A_27 : vector<1024x128xf32>
    %add3A_74 = arith.addf %mul3A_69, %mul3A_73 : vector<1024x128xf32>
    %swap3A = arith.constant 0 : index
    %swap3A_75 = arith.constant 0 : index
    %swap3A_76 = arith.constant 0 : index
    %swap3A_77 = vector.load %arg13[%swap3A, %swap3A_75, %swap3A_76] : memref<1x1024x128xf32, #tpu.memory_space<vmem>>, vector<1x1024x128xf32>
    %swap3A_78 = vector.shape_cast %swap3A_77 : vector<1x1024x128xf32> to vector<1024x128xf32>
    %swap3A_79 = vector.shape_cast %add3A_74 : vector<1024x128xf32> to vector<1x1024x128xf32>
    tpu.vector_store %arg13[%swap3A, %swap3A_75, %swap3A_76], %swap3A_79 {strides = array<i32>} : memref<1x1024x128xf32, #tpu.memory_space<vmem>>, vector<1x1024x128xf32>,
    %get3A_80 = arith.constant 0 : index
    %get3A_81 = arith.constant 0 : index
    %get3A_82 = vector.load %arg9[%get3A_80, %get3A_81] : memref<128x256xf32, #tpu.memory_space<vmem>>, vector<128x256xf32>
    %get3A_83 = arith.constant 0 : index
    %get3A_84 = arith.constant 0 : index
    %get3A_85 = vector.load %arg10[%get3A_83, %get3A_84] : memref<128x256xf32, #tpu.memory_space<vmem>>, vector<128x256xf32>
    %dot_general3A_86 = arith.constant dense<0.000000e+00> : vector<1024x256xf32>
    %dot_general3A_87 = tpu.matmul %add3A_14, %get3A_82, %dot_general3A_86 {dimension_numbers = #tpu.dot_dimension_numbers<[1], [0], [0], [1], [0, 0, 1, 1], [], []>, transpose_lhs_hint = false} : vector<1024x128xf32>, vector<128x256xf32>, vector<1024x256xf32> -> vector<1024x256xf32>
    %dot_general3A_88 = arith.constant dense<0.000000e+00> : vector<1024x256xf32>
    %dot_general3A_89 = tpu.matmul %add3A_40, %get3A_85, %dot_general3A_88 {dimension_numbers = #tpu.dot_dimension_numbers<[1], [0], [0], [1], [0, 0, 1, 1], [], []>, transpose_lhs_hint = false} : vector<1024x128xf32>, vector<128x256xf32>, vector<1024x256xf32> -> vector<1024x256xf32>
    %add3A_90 = arith.addf %dot_general3A_87, %dot_general3A_89 : vector<1024x256xf32>
    %slice3A_91 = vector.extract_strided_slice %get3A_1 {offsets = [1, 0], sizes = [1, 256], strides = [1, 1]} : vector<8x256xf32> to vector<1x256xf32>
    %add3A_92 = vector.broadcast %slice3A_91 : vector<1x256xf32> to vector<1024x256xf32>
    %add3A_93 = arith.addf %add3A_90, %add3A_92 : vector<1024x256xf32>
    %max3A_94 = arith.constant 0.000000e+00 : f32
    %max3A_95 = vector.broadcast %max3A_94 : f32 to vector<1024x256xf32>
    %max3A_96 = arith.maximumf %add3A_93, %max3A_95 : vector<1024x256xf32>
    %slice3A_97 = vector.extract_strided_slice %get3A_1 {offsets = [3, 0], sizes = [1, 256], strides = [1, 1]} : vector<8x256xf32> to vector<1x256xf32>
    %mul3A_98 = vector.broadcast %slice3A_97 : vector<1x256xf32> to vector<1024x256xf32>
    %mul3A_99 = arith.mulf %max3A_96, %mul3A_98 : vector<1024x256xf32>
    %reduce_sum3A_100 = arith.constant dense<0.000000e+00> : vector<1024xf32>
    %reduce_sum3A_101 = vector.multi_reduction <add>, %mul3A_99, %reduce_sum3A_100 [1] : vector<1024x256xf32> to vector<1024xf32>
    %broadcast_in_dim3A_102 = vector.shape_cast %reduce_sum3A_101 : vector<1024xf32> to vector<1024x1xf32>
    %slice3A_103 = vector.extract_strided_slice %get3A_1 {offsets = [5, 0], sizes = [1, 1], strides = [1, 1]} : vector<8x256xf32> to vector<1x1xf32>
    %add3A_104 = vector.broadcast %slice3A_103 : vector<1x1xf32> to vector<1024x1xf32>
    %add3A_105 = arith.addf %broadcast_in_dim3A_102, %add3A_104 : vector<1024x1xf32>
    %logistic3A_106 = arith.negf %add3A_105 : vector<1024x1xf32>
    %logistic3A_107 = math.exp %logistic3A_106 : vector<1024x1xf32>
    %logistic3A_108 = arith.constant 1.000000e+00 : f32
    %logistic3A_109 = vector.broadcast %logistic3A_108 : f32 to vector<1024x1xf32>
    %logistic3A_110 = arith.addf %logistic3A_109, %logistic3A_107 : vector<1024x1xf32>
    %logistic3A_111 = arith.divf %logistic3A_109, %logistic3A_110 : vector<1024x1xf32>
    %mul3A_112 = vector.broadcast %logistic3A_111 : vector<1024x1xf32> to vector<1024x128xf32>
    %mul3A_113 = arith.mulf %mul3A_112, %add3A_14 : vector<1024x128xf32>
    %sub3A_114 = arith.constant 1.000000e+00 : f32
    %sub3A_115 = vector.broadcast %sub3A_114 : f32 to vector<1024x1xf32>
    %sub3A_116 = arith.subf %sub3A_115, %logistic3A_111 : vector<1024x1xf32>
    %mul3A_117 = vector.broadcast %sub3A_116 : vector<1024x1xf32> to vector<1024x128xf32>
    %mul3A_118 = arith.mulf %mul3A_117, %add3A_40 : vector<1024x128xf32>
    %add3A_119 = arith.addf %mul3A_113, %mul3A_118 : vector<1024x128xf32>
    %swap3A_120 = arith.constant 0 : index
    %swap3A_121 = arith.constant 0 : index
    %swap3A_122 = arith.constant 0 : index
    %swap3A_123 = vector.load %arg14[%swap3A_120, %swap3A_121, %swap3A_122] : memref<1x1024x128xf32, #tpu.memory_space<vmem>>, vector<1x1024x128xf32>
    %swap3A_124 = vector.shape_cast %swap3A_123 : vector<1x1024x128xf32> to vector<1024x128xf32>
    %swap3A_125 = vector.shape_cast %add3A_119 : vector<1024x128xf32> to vector<1x1024x128xf32>
    tpu.vector_store %arg14[%swap3A_120, %swap3A_121, %swap3A_122], %swap3A_125 {strides = array<i32>} : memref<1x1024x128xf32, #tpu.memory_space<vmem>>, vector<1x1024x128xf32>,
    return
  }
  func.func @transform_0(%arg0: i32) -> (i32, i32, i32) {
    %c0_i32 = arith.constant 0 : i32
    %c0_i32_0 = arith.constant 0 : i32
    %c0_i32_1 = arith.constant 0 : i32
    return %arg0, %c0_i32, %c0_i32_0 : i32, i32, i32
  }
  func.func @transform_1(%arg0: i32) -> (i32, i32, i32) {
    %c0_i32 = arith.constant 0 : i32
    %c0_i32_0 = arith.constant 0 : i32
    %c0_i32_1 = arith.constant 0 : i32
    return %arg0, %c0_i32, %c0_i32_0 : i32, i32, i32
  }
  func.func @transform_2(%arg0: i32) -> (i32, i32, i32) {
    %c0_i32 = arith.constant 0 : i32
    %c0_i32_0 = arith.constant 0 : i32
    %c0_i32_1 = arith.constant 0 : i32
    return %arg0, %c0_i32, %c0_i32_0 : i32, i32, i32
  }
  func.func @transform_3(%arg0: i32) -> (i32, i32) {
    %c0_i32 = arith.constant 0 : i32
    %c0_i32_0 = arith.constant 0 : i32
    %c0_i32_1 = arith.constant 0 : i32
    return %c0_i32, %c0_i32_0 : i32, i32
  }
  func.func @transform_4(%arg0: i32) -> (i32, i32) {
    %c0_i32 = arith.constant 0 : i32
    %c0_i32_0 = arith.constant 0 : i32
    %c0_i32_1 = arith.constant 0 : i32
    return %c0_i32, %c0_i32_0 : i32, i32
  }
  func.func @transform_5(%arg0: i32) -> (i32, i32) {
    %c0_i32 = arith.constant 0 : i32
    %c0_i32_0 = arith.constant 0 : i32
    %c0_i32_1 = arith.constant 0 : i32
    return %c0_i32, %c0_i32_0 : i32, i32
  }
  func.func @transform_6(%arg0: i32) -> (i32, i32) {
    %c0_i32 = arith.constant 0 : i32
    %c0_i32_0 = arith.constant 0 : i32
    %c0_i32_1 = arith.constant 0 : i32
    return %c0_i32, %c0_i32_0 : i32, i32
  }
  func.func @transform_7(%arg0: i32) -> (i32, i32) {
    %c0_i32 = arith.constant 0 : i32
    %c0_i32_0 = arith.constant 0 : i32
    %c0_i32_1 = arith.constant 0 : i32
    return %c0_i32, %c0_i32_0 : i32, i32
  }
  func.func @transform_8(%arg0: i32) -> (i32, i32) {
    %c0_i32 = arith.constant 0 : i32
    %c0_i32_0 = arith.constant 0 : i32
    %c0_i32_1 = arith.constant 0 : i32
    return %c0_i32, %c0_i32_0 : i32, i32
  }
  func.func @transform_9(%arg0: i32) -> (i32, i32) {
    %c0_i32 = arith.constant 0 : i32
    %c0_i32_0 = arith.constant 0 : i32
    %c0_i32_1 = arith.constant 0 : i32
    return %c0_i32, %c0_i32_0 : i32, i32
  }
  func.func @transform_10(%arg0: i32) -> (i32, i32) {
    %c0_i32 = arith.constant 0 : i32
    %c0_i32_0 = arith.constant 0 : i32
    %c0_i32_1 = arith.constant 0 : i32
    return %c0_i32, %c0_i32_0 : i32, i32
  }
  func.func @transform_11(%arg0: i32) -> (i32, i32) {
    %c0_i32 = arith.constant 0 : i32
    %c0_i32_0 = arith.constant 0 : i32
    %c0_i32_1 = arith.constant 0 : i32
    return %c0_i32, %c0_i32_0 : i32, i32
  }
  func.func @transform_12(%arg0: i32) -> (i32, i32, i32) {
    %c0_i32 = arith.constant 0 : i32
    %c0_i32_0 = arith.constant 0 : i32
    %c0_i32_1 = arith.constant 0 : i32
    return %arg0, %c0_i32, %c0_i32_0 : i32, i32, i32
  }
  func.func @transform_13(%arg0: i32) -> (i32, i32, i32) {
    %c0_i32 = arith.constant 0 : i32
    %c0_i32_0 = arith.constant 0 : i32
    %c0_i32_1 = arith.constant 0 : i32
    return %arg0, %c0_i32, %c0_i32_0 : i32, i32, i32
  }
}

</mosaic_0001>

<sc_bundles>
// kernel: kernel.5.cloned.1.call-start
scs
__scs_entry_jumppad:
0x0: {  	(pc) =	sbr.rel $0x88, $3  }
0x1: {  	(tag) =	ssettag $0x0;
	lr =	simm.s32 $0x1  }
0x2: {  	[smem:$0x3F91] =	sst lr;
	_ =	strace $0xD0000000  }
0x3: {  	_ = 	snop  }
0x4: {  	_ = 	snop  }
0x5: {  	_ = 	snop  }
0x6: {  	_ = 	snop  }
0x7: {  	_ = 	snop  }
__scs_overlays_trampoline_lowered:
0x8: {  	[smem:$0x3FA0] =	sst s0  }
0x9: {  	[smem:$0x3FA1] =	sst s1  }
0xa: {  	[smem:$0x3FA2] =	sst s2  }
0xb: {  	[smem:$0x3FA3] =	sst s3  }
0xc: {  	[smem:$0x3FA4] =	sst s4  }
0xd: {  	[smem:$0x3FA5] =	sst s5  }
0xe: {  	[smem:$0x3FA6] =	sst s6  }
0xf: {  	[smem:$0x3FA7] =	sst s7  }
0x10: {  	[smem:$0x3FA8] =	sst s8  }
0x11: {  	[smem:$0x3FA9] =	sst s9;
	s0 =	simm.s32 @!p0 $0x0  }
0x12: {  	s1 =	sld [smem:$0x3F8F];
	s0 =	simm.s32 @p0 $0x1  }
0x13: {  	[smem:$0x3FAA] =	sst s0;
	s0 =	simm.s32 @!p1 $0x0  }
0x14: {  	s2 =	sld [smem:$0x3F8E];
	s0 =	simm.s32 @p1 $0x1  }
0x15: {  	[smem:$0x3FAB] =	sst s0;
	s0 =	simm.s32 @!p2 $0x0  }
0x16: {  	s3 =	sld [smem:$0x3FDB];
	s0 =	simm.s32 @p2 $0x1  }
0x17: {  	s4 =	simm.s32 $0x1BF5;
	[smem:$0x3FAD] =	sst s0  }
0x18: {  	s0 =	sld [smem:$0x3F90];
	_ =	swait.ge [sflag:s4], $0x0  }
0x19: {  	s7 =	sld [smem:$0x3F91]  }
0x1a: {  	s8 =	sadd.s32 $0xFFFFE003, lr  }
0x1b: {  	s9 =	sadd.s32 $0xFFFFFEF7, lr;
	s5 =	simm.s32 $0xFFFFFFFF;
	p2 =	slt.u32 s8, $0xFFFFF086  }
0x1c: {  	p1 =	slt.u32 s9, $0xF7A;
	s5 =	simm.s32 @!p2 $0x0  }
0x1d: {  	s5 =	simm.s32 @p1 $0x1;
	p0 =	seq.s32 s7, s2  }
0x1e: {  	s7 =	smul.u32 @!p0 $0xF7A, s2;
	p2 =	seq.s32 @!p0 s5, $0x0  }
0x1f: {  	s9 =	smul.u32 $0xF7A, s1;
	s8 =	simm.s32 @!p0 $0x1BF5;
	p2 =	por !p2, p0  }
0x20: {  	[sflag:s8] =	ssyncset.s32 @!p0 $0xFFFFF086;
	s6 =	sadd.s32 @!p0 s3, s7;
	s7 =	simm.s32 @!p0 $0x108  }
0x21: {  	s3 =	sadd.s32 s3, s9;
	s6 =	sadd.s32 @!p0 $0x88, s6;
	s7 =	simm.s32 @p2 $0x1082  }
0x22: {  	[simem:s7], [sflag:s8] =	dma.local @!p0 [hbm:s6], $0xF7A  }
0x23: {  	s9 =	sor.u32 $0xD0000000, s2;
	s6 =	simm.s32 $0x108;
	_ =	swait.ge @!p0 [sflag:s8], $0x0  }
0x24: {  	s3 =	sadd.s32 $0x88, s3;
	s6 =	simm.s32 @!p1 $0x1082;
	[sflag:s4] =	ssyncset.s32 $0xFFFFF086  }
0x25: {  	[simem:s6], [sflag:s4] =	dma.local [hbm:s3], $0xF7A  }
0x26: {  	[smem:$0x3F91] =	sst s1;
	(tag) =	ssettag s2;
	_ =	strace s9  }
0x27: {  	s1 =	sld [smem:$0x3FA1]  }
0x28: {  	s2 =	sld [smem:$0x3FA2]  }
0x29: {  	s4 =	sld [smem:$0x3FA4]  }
0x2a: {  	p0 =	seq.s32 s5, $0x0;
	s5 =	sld [smem:$0x3FA5]  }
0x2b: {  	s6 =	sld [smem:$0x3FA6]  }
0x2c: {  	s7 =	sld [smem:$0x3FA7]  }
0x2d: {  	s3 =	simm.s32 $0x108;
	s8 =	sld [smem:$0x3FA8]  }
0x2e: {  	s3 =	simm.s32 @!p0 $0x1082;
	s9 =	sld [smem:$0x3FA9]  }
0x2f: {  	lr =	sadd.s32 s0, s3;
	s0 =	sld [smem:$0x3FA0]  }
0x30: {  	s3 =	sld [smem:$0x3FA3]  }
0x31: {  	[smem:$0x3FAC] =	sst s10  }
0x32: {  	s10 =	sld [smem:$0x3FAA];
	_ =	sdelay $0x3  }
0x33: {  	p0 =	seq.s32 s10, $0x1;
	s10 =	sld [smem:$0x3FAC];
	_ =	sdelay $0x3  }
0x34: {  	[smem:$0x3FAC] =	sst s10  }
0x35: {  	s10 =	sld [smem:$0x3FAB];
	_ =	sdelay $0x3  }
0x36: {  	p1 =	seq.s32 s10, $0x1;
	s10 =	sld [smem:$0x3FAC];
	_ =	sdelay $0x3  }
0x37: {  	[smem:$0x3FAC] =	sst s10  }
0x38: {  	s10 =	sld [smem:$0x3FAD]  }
0x39: {  	_ = 	snop;
	(pc) =	sbr.ind lr, $3  }
0x3a: {  	_ = 	snop  }
0x3b: {  	_ = 	snop  }
0x3c: {  	p2 =	seq.s32 s10, $0x1;
	s10 =	sld [smem:$0x3FAC]  }
0x3d: {  	_ =	shalt  }
0x3e: {  	_ =	shalt  }
0x3f: {  	_ =	shalt  }
0x40: {  	_ =	shalt  }
0x41: {  	_ =	shalt  }
0x42: {  	_ =	shalt  }
0x43: {  	_ =	shalt  }
0x44: {  	_ =	shalt  }
0x45: {  	_ =	shalt  }
0x46: {  	_ =	shalt  }
0x47: {  	_ =	shalt  }
0x48: {  	_ =	shalt  }
0x49: {  	_ =	shalt  }
0x4a: {  	_ =	shalt  }
0x4b: {  	_ =	shalt  }
0x4c: {  	_ =	shalt  }
0x4d: {  	_ =	shalt  }
0x4e: {  	_ =	shalt  }
0x4f: {  	_ =	shalt  }
0x50: {  	_ =	shalt  }
0x51: {  	_ =	shalt  }
0x52: {  	_ =	shalt  }
0x53: {  	_ =	shalt  }
0x54: {  	_ =	shalt  }
0x55: {  	_ =	shalt  }
0x56: {  	_ =	shalt  }
0x57: {  	_ =	shalt  }
0x58: {  	_ =	shalt  }
0x59: {  	_ =	shalt  }
0x5a: {  	_ =	shalt  }
0x5b: {  	_ =	shalt  }
0x5c: {  	_ =	shalt  }
0x5d: {  	_ =	shalt  }
0x5e: {  	_ =	shalt  }
0x5f: {  	_ =	shalt  }
0x60: {  	_ =	shalt  }
0x61: {  	_ =	shalt  }
0x62: {  	_ =	shalt  }
0x63: {  	_ =	shalt  }
0x64: {  	_ =	shalt  }
0x65: {  	_ =	shalt  }
0x66: {  	_ =	shalt  }
0x67: {  	_ =	shalt  }
0x68: {  	_ =	shalt  }
0x69: {  	_ =	shalt  }
0x6a: {  	_ =	shalt  }
0x6b: {  	_ =	shalt  }
0x6c: {  	_ =	shalt  }
0x6d: {  	_ =	shalt  }
0x6e: {  	_ =	shalt  }
0x6f: {  	_ =	shalt  }
0x70: {  	_ =	shalt  }
0x71: {  	_ =	shalt  }
0x72: {  	_ =	shalt  }
0x73: {  	_ =	shalt  }
0x74: {  	_ =	shalt  }
0x75: {  	_ =	shalt  }
0x76: {  	_ =	shalt  }
0x77: {  	_ =	shalt  }
0x78: {  	_ =	shalt  }
0x79: {  	_ =	shalt  }
0x7a: {  	_ =	shalt  }
0x7b: {  	_ =	shalt  }
0x7c: {  	_ =	shalt  }
0x7d: {  	_ =	shalt  }
0x7e: {  	_ =	shalt  }
0x7f: {  	_ =	shalt  }
0x80: {  	_ =	shalt  }
0x81: {  	_ =	shalt  }
0x82: {  	_ =	shalt  }
0x83: {  	_ =	shalt  }
0x84: {  	_ =	shalt  }
0x85: {  	_ =	shalt  }
0x86: {  	_ =	shalt  }
0x87: {  	_ =	shalt  }
.Lfunc_end0:
.L_simem_size_0:
called_computation.1_lowered:
.L_overlay_start_0:
0x88: {  	s2 =	sld [smem:$0x3FD9]  }
0x89: {  	s3 =	sld [smem:$0x3FFE];
	_ =	sdelay $0x1  }
0x8a: {  	s1 =	srdreg.scid  }
0x8b: {  	s0 =	sand.u32 $0x1, s1  }
0x8c: {  	s14 =	sshll.u32 s0, $0xA;
	s2 =	sadd.s32 s3, s2  }
0x8d: {  	s2 =	sadd.s32 s2, s14  }
0x8e: {  	[smem:$0x3FB8] =	sst s2  }
0x8f: {  	_ = 	snop  }
0x90: {  	s2 =	sld [smem:$0x3FD0];
	_ =	sdelay $0x2  }
0x91: {  	s15 =	simm.s32 $0xA;
	s4 =	simm.s32 $0x10  }
0x92: {  	[smem:s4], [sflag:s15] =	dma.local [hbm:s2], $0x1  }
0x93: {  	_ =	swait.eq [sflag:s15], $0x1  }
0x94: {  	[sflag:s15] =	ssyncset.done $0x0  }
0x95: {  	[sflag:s15] =	ssyncadd.s32 $0xFFFFFFFF  }
0x96: {  	s16 =	sld [smem:$0x10];
	(tm) =	ssettm $0x1  }
0x97: {  	s17 =	sld [smem:$0x3FFB];
	_ =	sdelay $0x3  }
0x98: {  	_ =	strace s17  }
0x99: {  	s3 =	sld [smem:$0x3FFC];
	_ =	sdelay $0x3  }
0x9a: {  	_ =	strace s3  }
0x9b: {  	s3 =	sld [smem:$0x3FFD];
	_ =	sdelay $0x3  }
0x9c: {  	_ =	strace s3  }
0x9d: {  	_ =	strace $0x8FFFFFFF  }
0x9e: {  	s18 =	sld [smem:$0x3FDB];
	_ =	sdelay $0x1  }
0x9f: {  	s19 =	simm.s32 $_scs_section_size  }
0xa0: {  	s5 =	simm.s32 $_size__tile_overlayer_lowered;
	s6 =	simm.s32 $_tile_overlayer_lowered  }
0xa1: {  	s22 =	simm.s32 $0x1BFF;
	s21 =	sshll.u32 s6, $0x1;
	s3 =	sadd.s32 s19, s18  }
0xa2: {  	s7 =	simm.s32 $0x0;
	s20 =	sshll.u32 s5, $0x1;
	s5 =	sadd.s32 s21, s3  }
0xa3: {  	[timem:s7], [sflag:s22] =	dma.local [hbm:s5], s20  }
0xa4: {  	_ =	swait.ge [sflag:s22], s20  }
0xa5: {  	s4 =	ssub.s32 $0x0, s20;
	[sflag:s22] =	ssyncset.done $0x0  }
0xa6: {  	[sflag:s22] =	ssyncadd.s32 s4;
	_ =	sdelay $0x1  }
0xa7: {  	s23 =	simm.s32 $0x1B8B  }
0xa8: {  	_ =	swait.ge [sflag:s23], $0x1  }
0xa9: {  	[sflag:s23] =	ssyncset.done $0x0  }
0xaa: {  	s25 =	simm.s32 $0x1B8E;
	s24 =	sld [smem:$0x3FFE];
	[sflag:s23] =	ssyncadd.s32 $0xFFFFFFFF  }
0xab: {  	s26 =	simm.s32 $execute0_lowered;
	[smem:$0x3FD2] =	sst s25  }
0xac: {  	s5 =	sshll.u32 s26, $0x1;
	_ =	strace $0x80000049;
	[dreg:$0x1] =	wrdreg $0xFFFFFFFF  }
0xad: {  	s28 =	simm.s32 $_size_execute0_lowered;
	s3 =	sadd.s32 s3, s5;
	[dreg:$0x0] =	wrdreg $0x0  }
0xae: {  	s5 =	sshll.u32 s28, $0x1;
	[dreg:$0x2] =	wrdreg s3  }
0xaf: {  	[dreg:$0x3] =	wrdreg s5  }
0xb0: {  	[dreg:$0x4] =	wrdreg $0xC0  }
0xb1: {  	_ =	task [dreg:s7], $0x5FFFF  }
0xb2: {  	[dreg:$0x1] =	wrdreg $0xFFFFFFFF  }
0xb3: {  	[dreg:$0x0] =	wrdreg $0x60  }
0xb4: {  	[dreg:$0x2] =	wrdreg s24  }
0xb5: {  	[dreg:$0x3] =	wrdreg s16  }
0xb6: {  	[dreg:$0x4] =	wrdreg $0x9  }
0xb7: {  	_ =	task.clear_ibuf [dreg:s7], $0x5FFFF;
	_ =	strace $0x90000049  }
0xb8: {  	s29 =	simm.s32 $0x9;
	_ =	strace $0x8000004B  }
0xb9: {  	_ =	swait.ge [sflag:s29], $0x1  }
0xba: {  	[sflag:s29] =	ssyncadd.s32 $0xFFFFFFFF  }
0xbb: {  	_ =	strace $0x9000004B  }
0xbc: {  	_ =	sfence  }
0xbd: {  	s30 =	sld [smem:$0x0];
	_ =	sdelay $0x2  }
0xbe: {  	s31 =	sshll.u32 s1, $0xD;
	s1 =	sshrl.u32 s1, $0x2  }
0xbf: {  	s3 =	sand.u32 $0x4000, s31;
	s1 =	sadd.s32 s1, s30  }
0xc0: {  	s0 =	sor.u32 s3, s0;
	s1 =	sshll.u32 s1, $0x11  }
0xc1: {  	s0 =	sor.u32 s1, s0  }
0xc2: {  	s0 =	sadd.s32 $0x8F2B, s0  }
0xc3: {  	[sflag:s0] =	ssyncadd.remote.s32 $0x1  }
0xc4: {  	_ =	sfence.sel $0xFFFF  }
0xc5: {  	[dreg:$0x0] =	wrdreg $0xFFFFFFFF;
	(pc) =	sbr.abs _section_cstart, $3  }
0xc6: {  	[dreg:$0x1] =	wrdreg $0xFFFFFFFF  }
0xc7: {  	_ =	task.clear_ibuf [dreg:s7], $0x2FFFF;
	_ =	strace $0x9FFFFFFF  }
0xc8: {  	(tm) =	ssettm $0x7FFFFFFF  }
0xc9: {  	_ =	shalt  }
tec
execute0_lowered:
.L_overlay_start_1:
0x0: {  	(tag) =	ssettag $0x1  }
0x1: {  	s0 =	rddreg [dreg:$0x0]  }
0x2: {  	s2 =	simm.s32 $0x0;
	s1 =	srdreg.scid;
	s8 =	stileid.u32  }
0x3: {  	s10 =	simm.s32 $0x2;
	s11 =	simm.s32 $0x80;
	s16 =	simm.s32 $0x1500  }
0x4: {  	s17 =	simm.s32 $0x2500;
	s18 =	simm.s32 $0x1580;
	s19 =	simm.s32 $0x2580  }
0x5: {  	s20 =	simm.s32 $0x1600;
	s21 =	simm.s32 $0x2600;
	s22 =	simm.s32 $0x1680  }
0x6: {  	s28 =	simm.s32 $0x2780;
	s29 =	simm.s32 $0x1;
	s30 =	simm.s32 $0x2800  }
0x7: {  	s31 =	simm.s32 $0x3000;
	[smem:$0x7FF] =	sst s2;
	s1 =	sand.u32 $0x1, s1  }
0x8: {  	s4 =	sadd.s32 $0x2E00, s0;
	s5 =	sadd.s32 $0x402E00, s0;
	s6 =	sadd.s32 $0x422E00, s0  }
0x9: {  	s24 =	sshll.u32 s8, $0xB;
	s25 =	sshll.u32 s8, $0x15;
	_ =	strace $0x8000004A  }
0xa: {  	s3 =	ssub.s32 $0x2, s1;
	s7 =	sshll.u32 s1, $0xA;
	s1 =	sshll.u32 s1, $0x14  }
0xb: {  	v0 =	vlaneseq.u32;
	s23 =	sshrl.u32 s3, $0x1;
	s7 =	sor.u32 s7, s24;
	s26 =	sor.u32 s1, s25  }
0xc: {  	v0 =	vmul.u32 $0xFFFFFFFF, v0;
	s24 =	simm.s32 $0x1700;
	s25 =	simm.s32 $0x2700;
	s0 =	ssub.s32 s3, s23  }
0xd: {  	s1 =	simm.s32 $0x0;
	[dreg:$0x4] =	wrdreg s26;
	s0 =	smax.u32 s0, $0x1  }
0xe: {  	vm0 =	vmmov $0x1ff;
	v0 =	vadd.s32 $0xF, v0;
	s23 =	simm.s32 $0x2680;
	s26 =	simm.s32 $0x1780;
	[dreg:$0x3] =	wrdreg s0  }
.LBB2_1:
0xf: {  	s3 =	rddreg [dreg:$0x4]  }
0x10: {  	[dreg:$0x5] =	wrdreg s1;
	s8 =	simm.s32 $0x0;
	s0 =	smov.u32 s3  }
.LBB2_2:
0x11: {  	s1 =	sshll.u32 s8, $0x6  }
0x12: {  	s1 =	sadd.s32 s7, s1  }
0x13: {  	s15 =	rddreg [dreg:$0x1];
	s9 =	sshll.u32 s1, $0x2  }
0x14: {  	s12 =	simm.s32 $0x0;
	s1 =	sadd.s32 s15, s9  }
0x15: {  	[tilespmem:s12], [sflag:$0x2] =	stream.linear.gather [hbm4b:s1+s12], $0x800, $0x38;
	[tilespmem:$0x3800] =	vst v63  }
0x16: {  	_ =	swait.ge [sflag:s10], $0x800  }
0x17: {  	[sflag:s10] =	ssyncset.done $0x0  }
0x18: {  	s1 =	simm.s32 $0x10;
	[sflag:s10] =	ssyncadd.s32 $0xFFFFF800  }
0x19: {  	v1 =	vld [tilespmem:s1+$0x0];
	_ =	sdelay $0x1  }
0x1a: {  	v2 =	vld [tilespmem:s1+$0xFFFFFFF0];
	_ =	sdelay $0x2  }
0x1b: {  	s14 =	sadd.s32 $0x0, s3;
	s12 =	simm.s32 $0x820;
	v3 =	vadd.s32 s0, v1;
	v1 =	vshll.u32 v1, $0xA  }
0x1c: {  	[tilespmem:s12+$0xFFFFFFF0] =	vst v3;
	v1 =	vadd.s32 s14, v1  }
0x1d: {  	v3 =	vadd.s32 s0, v2;
	v2 =	vshll.u32 v2, $0xA;
	[tilespmem:s12+$0x10] =	vst v1  }
0x1e: {  	s13 =	simm.s32 $0x1;
	[tilespmem:s12+$0xFFFFFFE0] =	vst v3;
	v1 =	vadd.s32 s14, v2;
	s14 =	smov.u32 s0  }
.LBB2_3:
0x1f: {  	[tilespmem:s12+$0x0] =	vst v1;
	s14 =	sadd.s32 $0x400, s14;
	s12 =	sadd.s32 $0x40, s12;
	s1 =	sadd.s32 $0x20, s1  }
0x20: {  	p0 =	sne.s32 s13, $0x3F;
	s15 =	smov.u32 s13;
	s13 =	sadd.s32 $0x1, s13;
	v1 =	vld [tilespmem:s1+$0x0]  }
0x21: {  	_ = 	snop  }
0x22: {  	v2 =	vld [tilespmem:s1+$0xFFFFFFF0];
	_ =	sdelay $0x1  }
.Ltmp0:
0x23: {  	(pc) =	sbr.rel @p0 .LBB2_3-.Ltmp0, $4  }
0x24: {  	s15 =	sadd.s32 s15, s3;
	v3 =	vadd.s32 s14, v1;
	v1 =	vshll.u32 v1, $0xA  }
0x25: {  	[tilespmem:s12+$0xFFFFFFF0] =	vst v3;
	v1 =	vadd.s32 s15, v1  }
0x26: {  	v3 =	vadd.s32 s14, v2;
	v2 =	vshll.u32 v2, $0xA;
	[tilespmem:s12+$0x10] =	vst v1  }
0x27: {  	[tilespmem:s12+$0xFFFFFFE0] =	vst v3;
	v1 =	vadd.s32 s15, v2  }
0x28: {  	[tilespmem:s12+$0x0] =	vst v1;
	s1 =	simm.s32 $0x800;
	s13 =	simm.s32 $0x1800  }
0x29: {  	[tilespmem:s13], [sflag:$0x1] =	stream.indirect.gather [hbm4b:s4+s11], $0x1, s1, s11, $0xb8;
	[tilespmem:$0x3800] =	vst v63  }
0x2a: {  	s14 =	simm.s32 $0x880;
	s15 =	simm.s32 $0x1880  }
0x2b: {  	[tilespmem:s15], [sflag:$0x1] =	stream.indirect.gather [hbm4b:s4+s11], $0x1, s14, s11, $0xb8;
	[tilespmem:$0x3800] =	vst v63  }
0x2c: {  	s12 =	simm.s32 $0x900;
	s13 =	simm.s32 $0x1900  }
0x2d: {  	[tilespmem:s13], [sflag:$0x1] =	stream.indirect.gather [hbm4b:s4+s11], $0x1, s12, s11, $0xb8;
	[tilespmem:$0x3800] =	vst v63  }
0x2e: {  	s14 =	simm.s32 $0x980;
	s15 =	simm.s32 $0x1980  }
0x2f: {  	[tilespmem:s15], [sflag:$0x1] =	stream.indirect.gather [hbm4b:s4+s11], $0x1, s14, s11, $0xb8;
	[tilespmem:$0x3800] =	vst v63  }
0x30: {  	s12 =	simm.s32 $0xA00;
	s13 =	simm.s32 $0x1A00  }
0x31: {  	[tilespmem:s13], [sflag:$0x1] =	stream.indirect.gather [hbm4b:s4+s11], $0x1, s12, s11, $0xb8;
	[tilespmem:$0x3800] =	vst v63  }
0x32: {  	s14 =	simm.s32 $0xA80;
	s15 =	simm.s32 $0x1A80  }
0x33: {  	[tilespmem:s15], [sflag:$0x1] =	stream.indirect.gather [hbm4b:s4+s11], $0x1, s14, s11, $0xb8;
	[tilespmem:$0x3800] =	vst v63  }
0x34: {  	s12 =	simm.s32 $0xB00;
	s13 =	simm.s32 $0x1B00  }
0x35: {  	[tilespmem:s13], [sflag:$0x1] =	stream.indirect.gather [hbm4b:s4+s11], $0x1, s12, s11, $0xb8;
	[tilespmem:$0x3800] =	vst v63  }
0x36: {  	s14 =	simm.s32 $0xB80;
	s15 =	simm.s32 $0x1B80  }
0x37: {  	[tilespmem:s15], [sflag:$0x1] =	stream.indirect.gather [hbm4b:s4+s11], $0x1, s14, s11, $0xb8;
	[tilespmem:$0x3800] =	vst v63  }
0x38: {  	s12 =	simm.s32 $0xC00;
	s13 =	simm.s32 $0x1C00  }
0x39: {  	[tilespmem:s13], [sflag:$0x1] =	stream.indirect.gather [hbm4b:s4+s11], $0x1, s12, s11, $0xb8;
	[tilespmem:$0x3800] =	vst v63  }
0x3a: {  	s14 =	simm.s32 $0xC80;
	s15 =	simm.s32 $0x1C80  }
0x3b: {  	[tilespmem:s15], [sflag:$0x1] =	stream.indirect.gather [hbm4b:s4+s11], $0x1, s14, s11, $0xb8;
	[tilespmem:$0x3800] =	vst v63  }
0x3c: {  	s12 =	simm.s32 $0xD00;
	s13 =	simm.s32 $0x1D00  }
0x3d: {  	[tilespmem:s13], [sflag:$0x1] =	stream.indirect.gather [hbm4b:s4+s11], $0x1, s12, s11, $0xb8;
	[tilespmem:$0x3800] =	vst v63  }
0x3e: {  	s14 =	simm.s32 $0xD80;
	s15 =	simm.s32 $0x1D80  }
0x3f: {  	[tilespmem:s15], [sflag:$0x1] =	stream.indirect.gather [hbm4b:s4+s11], $0x1, s14, s11, $0xb8;
	[tilespmem:$0x3800] =	vst v63  }
0x40: {  	s12 =	simm.s32 $0xE00;
	s13 =	simm.s32 $0x1E00  }
0x41: {  	[tilespmem:s13], [sflag:$0x1] =	stream.indirect.gather [hbm4b:s4+s11], $0x1, s12, s11, $0xb8;
	[tilespmem:$0x3800] =	vst v63  }
0x42: {  	s14 =	simm.s32 $0xE80;
	s15 =	simm.s32 $0x1E80  }
0x43: {  	[tilespmem:s15], [sflag:$0x1] =	stream.indirect.gather [hbm4b:s4+s11], $0x1, s14, s11, $0xb8;
	[tilespmem:$0x3800] =	vst v63  }
0x44: {  	s12 =	simm.s32 $0xF00;
	s13 =	simm.s32 $0x1F00  }
0x45: {  	[tilespmem:s13], [sflag:$0x1] =	stream.indirect.gather [hbm4b:s4+s11], $0x1, s12, s11, $0xb8;
	[tilespmem:$0x3800] =	vst v63  }
0x46: {  	s14 =	simm.s32 $0xF80;
	s15 =	simm.s32 $0x1F80  }
0x47: {  	[tilespmem:s15], [sflag:$0x1] =	stream.indirect.gather [hbm4b:s4+s11], $0x1, s14, s11, $0xb8;
	[tilespmem:$0x3800] =	vst v63  }
0x48: {  	s12 =	simm.s32 $0x1000;
	s13 =	simm.s32 $0x2000  }
0x49: {  	[tilespmem:s13], [sflag:$0x1] =	stream.indirect.gather [hbm4b:s4+s11], $0x1, s12, s11, $0xb8;
	[tilespmem:$0x3800] =	vst v63  }
0x4a: {  	s14 =	simm.s32 $0x1080;
	s15 =	simm.s32 $0x2080  }
0x4b: {  	[tilespmem:s15], [sflag:$0x1] =	stream.indirect.gather [hbm4b:s4+s11], $0x1, s14, s11, $0xb8;
	[tilespmem:$0x3800] =	vst v63  }
0x4c: {  	s12 =	simm.s32 $0x1100;
	s13 =	simm.s32 $0x2100  }
0x4d: {  	[tilespmem:s13], [sflag:$0x1] =	stream.indirect.gather [hbm4b:s4+s11], $0x1, s12, s11, $0xb8;
	[tilespmem:$0x3800] =	vst v63  }
0x4e: {  	s14 =	simm.s32 $0x1180;
	s15 =	simm.s32 $0x2180  }
0x4f: {  	[tilespmem:s15], [sflag:$0x1] =	stream.indirect.gather [hbm4b:s4+s11], $0x1, s14, s11, $0xb8;
	[tilespmem:$0x3800] =	vst v63  }
0x50: {  	s12 =	simm.s32 $0x1200;
	s13 =	simm.s32 $0x2200  }
0x51: {  	[tilespmem:s13], [sflag:$0x1] =	stream.indirect.gather [hbm4b:s4+s11], $0x1, s12, s11, $0xb8;
	[tilespmem:$0x3800] =	vst v63  }
0x52: {  	s14 =	simm.s32 $0x1280;
	s15 =	simm.s32 $0x2280  }
0x53: {  	[tilespmem:s15], [sflag:$0x1] =	stream.indirect.gather [hbm4b:s4+s11], $0x1, s14, s11, $0xb8;
	[tilespmem:$0x3800] =	vst v63  }
0x54: {  	s12 =	simm.s32 $0x1300;
	s13 =	simm.s32 $0x2300  }
0x55: {  	[tilespmem:s13], [sflag:$0x1] =	stream.indirect.gather [hbm4b:s4+s11], $0x1, s12, s11, $0xb8;
	[tilespmem:$0x3800] =	vst v63  }
0x56: {  	s14 =	simm.s32 $0x1380;
	s15 =	simm.s32 $0x2380  }
0x57: {  	[tilespmem:s15], [sflag:$0x1] =	stream.indirect.gather [hbm4b:s4+s11], $0x1, s14, s11, $0xb8;
	[tilespmem:$0x3800] =	vst v63  }
0x58: {  	s12 =	simm.s32 $0x1400;
	s13 =	simm.s32 $0x2400  }
0x59: {  	[tilespmem:s13], [sflag:$0x1] =	stream.indirect.gather [hbm4b:s4+s11], $0x1, s12, s11, $0xb8;
	[tilespmem:$0x3800] =	vst v63  }
0x5a: {  	s14 =	simm.s32 $0x1480;
	s15 =	simm.s32 $0x2480  }
0x5b: {  	[tilespmem:s15], [sflag:$0x1] =	stream.indirect.gather [hbm4b:s4+s11], $0x1, s14, s11, $0xb8;
	[tilespmem:$0x3800] =	vst v63  }
0x5c: {  	_ = 	snop  }
0x5d: {  	[tilespmem:s17], [sflag:$0x1] =	stream.indirect.gather [hbm4b:s4+s11], $0x1, s16, s11, $0xb8;
	[tilespmem:$0x3800] =	vst v63  }
0x5e: {  	_ = 	snop  }
0x5f: {  	[tilespmem:s19], [sflag:$0x1] =	stream.indirect.gather [hbm4b:s4+s11], $0x1, s18, s11, $0xb8;
	[tilespmem:$0x3800] =	vst v63  }
0x60: {  	_ = 	snop  }
0x61: {  	[tilespmem:s21], [sflag:$0x1] =	stream.indirect.gather [hbm4b:s4+s11], $0x1, s20, s11, $0xb8;
	[tilespmem:$0x3800] =	vst v63  }
0x62: {  	_ = 	snop  }
0x63: {  	[tilespmem:s23], [sflag:$0x1] =	stream.indirect.gather [hbm4b:s4+s11], $0x1, s22, s11, $0xb8;
	[tilespmem:$0x3800] =	vst v63  }
0x64: {  	_ = 	snop  }
0x65: {  	[tilespmem:s25], [sflag:$0x1] =	stream.indirect.gather [hbm4b:s4+s11], $0x1, s24, s11, $0xb8;
	[tilespmem:$0x3800] =	vst v63  }
0x66: {  	_ = 	snop  }
0x67: {  	[tilespmem:s28], [sflag:$0x1] =	stream.indirect.gather [hbm4b:s4+s11], $0x1, s26, s11, $0xb8;
	[tilespmem:$0x3800] =	vst v63  }
0x68: {  	_ =	swait.ge [sflag:s29], $0x80  }
0x69: {  	[sflag:s29] =	ssyncset.done $0x0  }
0x6a: {  	[sflag:s29] =	ssyncadd.s32 $0xFFFFFF80  }
0x6b: {  	_ =	swait.ge [sflag:s29], $0x80  }
0x6c: {  	[sflag:s29] =	ssyncset.done $0x0  }
0x6d: {  	[sflag:s29] =	ssyncadd.s32 $0xFFFFFF80  }
0x6e: {  	_ =	swait.ge [sflag:s29], $0x80  }
0x6f: {  	[sflag:s29] =	ssyncset.done $0x0  }
0x70: {  	[sflag:s29] =	ssyncadd.s32 $0xFFFFFF80  }
0x71: {  	_ =	swait.ge [sflag:s29], $0x80  }
0x72: {  	[sflag:s29] =	ssyncset.done $0x0  }
0x73: {  	[sflag:s29] =	ssyncadd.s32 $0xFFFFFF80  }
0x74: {  	_ =	swait.ge [sflag:s29], $0x80  }
0x75: {  	[sflag:s29] =	ssyncset.done $0x0  }
0x76: {  	[sflag:s29] =	ssyncadd.s32 $0xFFFFFF80  }
0x77: {  	_ =	swait.ge [sflag:s29], $0x80  }
0x78: {  	[sflag:s29] =	ssyncset.done $0x0  }
0x79: {  	[sflag:s29] =	ssyncadd.s32 $0xFFFFFF80  }
0x7a: {  	_ =	swait.ge [sflag:s29], $0x80  }
0x7b: {  	[sflag:s29] =	ssyncset.done $0x0  }
0x7c: {  	[sflag:s29] =	ssyncadd.s32 $0xFFFFFF80  }
0x7d: {  	_ =	swait.ge [sflag:s29], $0x80  }
0x7e: {  	[sflag:s29] =	ssyncset.done $0x0  }
0x7f: {  	[sflag:s29] =	ssyncadd.s32 $0xFFFFFF80  }
0x80: {  	_ =	swait.ge [sflag:s29], $0x80  }
0x81: {  	[sflag:s29] =	ssyncset.done $0x0  }
0x82: {  	[sflag:s29] =	ssyncadd.s32 $0xFFFFFF80  }
0x83: {  	_ =	swait.ge [sflag:s29], $0x80  }
0x84: {  	[sflag:s29] =	ssyncset.done $0x0  }
0x85: {  	[sflag:s29] =	ssyncadd.s32 $0xFFFFFF80  }
0x86: {  	_ =	swait.ge [sflag:s29], $0x80  }
0x87: {  	[sflag:s29] =	ssyncset.done $0x0  }
0x88: {  	[sflag:s29] =	ssyncadd.s32 $0xFFFFFF80  }
0x89: {  	_ =	swait.ge [sflag:s29], $0x80  }
0x8a: {  	[sflag:s29] =	ssyncset.done $0x0  }
0x8b: {  	[sflag:s29] =	ssyncadd.s32 $0xFFFFFF80  }
0x8c: {  	_ =	swait.ge [sflag:s29], $0x80  }
0x8d: {  	[sflag:s29] =	ssyncset.done $0x0  }
0x8e: {  	[sflag:s29] =	ssyncadd.s32 $0xFFFFFF80  }
0x8f: {  	_ =	swait.ge [sflag:s29], $0x80  }
0x90: {  	[sflag:s29] =	ssyncset.done $0x0  }
0x91: {  	[sflag:s29] =	ssyncadd.s32 $0xFFFFFF80  }
0x92: {  	_ =	swait.ge [sflag:s29], $0x80  }
0x93: {  	[sflag:s29] =	ssyncset.done $0x0  }
0x94: {  	[sflag:s29] =	ssyncadd.s32 $0xFFFFFF80  }
0x95: {  	_ =	swait.ge [sflag:s29], $0x80  }
0x96: {  	[sflag:s29] =	ssyncset.done $0x0  }
0x97: {  	[sflag:s29] =	ssyncadd.s32 $0xFFFFFF80  }
0x98: {  	_ =	swait.ge [sflag:s29], $0x80  }
0x99: {  	[sflag:s29] =	ssyncset.done $0x0  }
0x9a: {  	[sflag:s29] =	ssyncadd.s32 $0xFFFFFF80  }
0x9b: {  	_ =	swait.ge [sflag:s29], $0x80  }
0x9c: {  	[sflag:s29] =	ssyncset.done $0x0  }
0x9d: {  	[sflag:s29] =	ssyncadd.s32 $0xFFFFFF80  }
0x9e: {  	_ =	swait.ge [sflag:s29], $0x80  }
0x9f: {  	[sflag:s29] =	ssyncset.done $0x0  }
0xa0: {  	[sflag:s29] =	ssyncadd.s32 $0xFFFFFF80  }
0xa1: {  	_ =	swait.ge [sflag:s29], $0x80  }
0xa2: {  	[sflag:s29] =	ssyncset.done $0x0  }
0xa3: {  	[sflag:s29] =	ssyncadd.s32 $0xFFFFFF80  }
0xa4: {  	_ =	swait.ge [sflag:s29], $0x80  }
0xa5: {  	[sflag:s29] =	ssyncset.done $0x0  }
0xa6: {  	[sflag:s29] =	ssyncadd.s32 $0xFFFFFF80  }
0xa7: {  	_ =	swait.ge [sflag:s29], $0x80  }
0xa8: {  	[sflag:s29] =	ssyncset.done $0x0  }
0xa9: {  	[sflag:s29] =	ssyncadd.s32 $0xFFFFFF80  }
0xaa: {  	_ =	swait.ge [sflag:s29], $0x80  }
0xab: {  	[sflag:s29] =	ssyncset.done $0x0  }
0xac: {  	[sflag:s29] =	ssyncadd.s32 $0xFFFFFF80  }
0xad: {  	_ =	swait.ge [sflag:s29], $0x80  }
0xae: {  	[sflag:s29] =	ssyncset.done $0x0  }
0xaf: {  	[sflag:s29] =	ssyncadd.s32 $0xFFFFFF80  }
0xb0: {  	_ =	swait.ge [sflag:s29], $0x80  }
0xb1: {  	[sflag:s29] =	ssyncset.done $0x0  }
0xb2: {  	[sflag:s29] =	ssyncadd.s32 $0xFFFFFF80  }
0xb3: {  	_ =	swait.ge [sflag:s29], $0x80  }
0xb4: {  	[sflag:s29] =	ssyncset.done $0x0  }
0xb5: {  	[sflag:s29] =	ssyncadd.s32 $0xFFFFFF80  }
0xb6: {  	_ =	swait.ge [sflag:s29], $0x80  }
0xb7: {  	[sflag:s29] =	ssyncset.done $0x0  }
0xb8: {  	[sflag:s29] =	ssyncadd.s32 $0xFFFFFF80  }
0xb9: {  	_ =	swait.ge [sflag:s29], $0x80  }
0xba: {  	[sflag:s29] =	ssyncset.done $0x0  }
0xbb: {  	[sflag:s29] =	ssyncadd.s32 $0xFFFFFF80  }
0xbc: {  	_ =	swait.ge [sflag:s29], $0x80  }
0xbd: {  	[sflag:s29] =	ssyncset.done $0x0  }
0xbe: {  	[sflag:s29] =	ssyncadd.s32 $0xFFFFFF80  }
0xbf: {  	_ =	swait.ge [sflag:s29], $0x80  }
0xc0: {  	[sflag:s29] =	ssyncset.done $0x0  }
0xc1: {  	[sflag:s29] =	ssyncadd.s32 $0xFFFFFF80  }
0xc2: {  	_ =	swait.ge [sflag:s29], $0x80  }
0xc3: {  	[sflag:s29] =	ssyncset.done $0x0  }
0xc4: {  	[sflag:s29] =	ssyncadd.s32 $0xFFFFFF80  }
0xc5: {  	_ =	swait.ge [sflag:s29], $0x80  }
0xc6: {  	[sflag:s29] =	ssyncset.done $0x0  }
0xc7: {  	s1 =	simm.s32 $0x1820;
	[sflag:s29] =	ssyncadd.s32 $0xFFFFFF80  }
0xc8: {  	v1 =	vld [tilespmem:s1+$0xFFFFFFF0]  }
0xc9: {  	v2 =	vld [tilespmem:s1+$0x10];
	_ =	sdelay $0x1  }
0xca: {  	v3 =	vld [tilespmem:s1+$0xFFFFFFE0];
	_ =	sdelay $0x1  }
0xcb: {  	v1 =	vnsel vm0, $0x7149F2CA, v1  }
0xcc: {  	v2 =	vnsel vm0, $0x7149F2CA, v2;
	(xrf1) =	vsort.ascd.msk.f32 $0xffff, v1, v1  }
0xcd: {  	(xrf1) =	vsort.ascd.msk.f32 $0xffff, v2, v2  }
0xce: {  	(xrf1) =	vsort.ascd.msk.f32 $0xffff, v3, v3;
	_ =	sdelay $0x7  }
0xcf: {  	v4 =	vld [tilespmem:s1+$0x0];
	_ =	sdelay $0x3  }
0xd0: {  	v1, _, _ =	vpop (xrf1)  }
0xd1: {  	(xrf1) =	vsort.ascd.msk.f32 $0xffff, v4, v4;
	v1 =	vperm.xlane v1, v0;
	v2, _, _ =	vpop (xrf1)  }
0xd2: {  	v3, _, _ =	vpop (xrf1)  }
0xd3: {  	v62 =	vmax.f32 v3, v1  }
0xd4: {  	(xrf1) =	vsort.ascd.msk.f32 $0xffff, v62, v62;
	_ =	sdelay $0x9  }
0xd5: {  	v2 =	vperm.xlane v2, v0  }
0xd6: {  	v1 =	vmin.f32 v3, v1;
	v3, _, _ =	vpop (xrf1)  }
0xd7: {  	v63 =	vmax.f32 v3, v2;
	(xrf1) =	vsort.ascd.msk.f32 $0xffff, v1, v1  }
0xd8: {  	v2 =	vmin.f32 v3, v2;
	(xrf1) =	vsort.ascd.msk.f32 $0xffff, v63, v63  }
0xd9: {  	v1, _, _ =	vpop (xrf1);
	(xrf1) =	vsort.ascd.msk.f32 $0xffff, v2, v2;
	_ =	sdelay $0xb  }
0xda: {  	s12 =	simm.s32 $0x2800;
	s14 =	simm.s32 $0x0;
	v3 =	vnsel vm0, $0x0, v1;
	v1, _, _ =	vpop (xrf1)  }
0xdb: {  	s13 =	simm.s32 $0x20;
	s15 =	sand.u32 $0x7E0, s14;
	s14 =	simm.s32 $0x2800;
	[tilespmem:s12+$0x10] =	vst v3;
	v2, _, _ =	vpop (xrf1)  }
.LBB2_5:
0xdc: {  	p0 =	sne.s32 s13, $0x7E0;
	v2 =	vnsel vm0, $0x0, v2;
	[tilespmem:s12+$0x0] =	vst v1;
	s1 =	sadd.s32 $0x40, s1;
	s14 =	sadd.s32 $0x20, s14;
	v1, _, _ =	vpop (xrf1)  }
0xdd: {  	[tilespmem:s15+$0x3000] =	vst v1;
	s15 =	smov.u32 s13;
	s13 =	sadd.s32 $0x20, s13  }
0xde: {  	[tilespmem:s12+$0x810] =	vst v2;
	s12 =	smov.u32 s14  }
0xdf: {  	v1 =	vld [tilespmem:s1+$0xFFFFFFF0]  }
0xe0: {  	v2 =	vld [tilespmem:s1+$0x10]  }
0xe1: {  	v3 =	vld [tilespmem:s1+$0xFFFFFFE0];
	_ =	sdelay $0x1  }
0xe2: {  	v4 =	vld [tilespmem:s1+$0x0]  }
0xe3: {  	v1 =	vnsel vm0, $0x7149F2CA, v1  }
0xe4: {  	v2 =	vnsel vm0, $0x7149F2CA, v2;
	(xrf1) =	vsort.ascd.msk.f32 $0xffff, v1, v1  }
0xe5: {  	(xrf1) =	vsort.ascd.msk.f32 $0xffff, v2, v2  }
0xe6: {  	(xrf1) =	vsort.ascd.msk.f32 $0xffff, v3, v3  }
0xe7: {  	(xrf1) =	vsort.ascd.msk.f32 $0xffff, v4, v4;
	_ =	sdelay $0xa  }
0xe8: {  	v1, _, _ =	vpop (xrf1)  }
0xe9: {  	v1 =	vperm.xlane v1, v0;
	v2, _, _ =	vpop (xrf1)  }
0xea: {  	v2 =	vperm.xlane v2, v0;
	v3, _, _ =	vpop (xrf1)  }
0xeb: {  	v4 =	vmin.f32 v3, v1;
	v1 =	vmax.f32 v3, v1;
	v3, _, _ =	vpop (xrf1)  }
0xec: {  	v5 =	vmin.f32 v3, v2;
	v2 =	vmax.f32 v3, v2;
	(xrf1) =	vsort.ascd.msk.f32 $0xffff, v1, v1  }
0xed: {  	(xrf1) =	vsort.ascd.msk.f32 $0xffff, v4, v4  }
0xee: {  	(xrf1) =	vsort.ascd.msk.f32 $0xffff, v2, v2  }
0xef: {  	(xrf1) =	vsort.ascd.msk.f32 $0xffff, v5, v5;
	_ =	sdelay $0x8  }
.Ltmp1:
0xf0: {  	(pc) =	sbr.rel @p0 .LBB2_5-.Ltmp1, $4  }
0xf1: {  	_ = 	snop  }
0xf2: {  	v1, _, _ =	vpop (xrf1)  }
0xf3: {  	v3 =	vnsel vm0, $0x0, v1;
	v1, _, _ =	vpop (xrf1)  }
0xf4: {  	s15 =	sand.u32 $0x7E0, s15;
	[tilespmem:s14+$0x10] =	vst v3;
	v2, _, _ =	vpop (xrf1)  }
0xf5: {  	[tilespmem:s12+$0x0] =	vst v1;
	v1, _, _ =	vpop (xrf1)  }
0xf6: {  	v2 =	vnsel vm0, $0x0, v2;
	[tilespmem:s15+$0x3000] =	vst v1  }
0xf7: {  	s1 =	sadd.s32 s5, s9;
	[tilespmem:s12+$0x810] =	vst v2  }
0xf8: {  	[hbm4b:s1+s2] =	stream.linear.scatter [tilespmem:s30], [sflag:$0x2], $0x800, $0x38;
	[tilespmem:$0x3800] =	vst v63  }
0xf9: {  	s8 =	sadd.s32 $0x1, s8;
	_ =	swait.ge [sflag:s10], $0x800  }
0xfa: {  	p0 =	sne.s32 s8, $0x10;
	[sflag:s10] =	ssyncset.done $0x0  }
.Ltmp2:
0xfb: {  	s15 =	sadd.s32 s6, s9;
	[sflag:s10] =	ssyncadd.s32 $0xFFFFF800;
	(pc) =	sbr.rel @p0 .LBB2_2-.Ltmp2, $4  }
0xfc: {  	[hbm4b:s15+s2] =	stream.linear.scatter [tilespmem:s31], [sflag:$0x2], $0x800, $0x38;
	[tilespmem:$0x3800] =	vst v63  }
0xfd: {  	_ =	swait.ge [sflag:s10], $0x800  }
0xfe: {  	[sflag:s10] =	ssyncset.done $0x0  }
0xff: {  	s3 =	sadd.s32 $0x40, s3;
	s0 =	sadd.s32 $0x10000, s0;
	[sflag:s10] =	ssyncadd.s32 $0xFFFFF800  }
0x100: {  	s1 =	rddreg [dreg:$0x5]  }
0x101: {  	s0 =	rddreg [dreg:$0x3];
	s1 =	sadd.s32 $0x1, s1  }
0x102: {  	p0 =	sne.s32 s1, s0  }
.Ltmp3:
0x103: {  	_ = 	snop;
	(pc) =	sbr.rel @p0 .LBB2_1-.Ltmp3, $1  }
0x104: {  	_ =	sdelay $0x3  }
0x105: {  	_ =	sfence.sel $0x180000  }
0x106: {  	[bflag:$0x0] =	sbarrier.arrive $0xFFFF  }
0x107: {  	_ =	strace $0x9000004A  }
0x108: {  	s0 =	stileid.u32;
	[bflag:$0x2] =	sbarrier.arrive $0xFFFF  }
0x109: {  	p0 =	sne.s32 s0, $0x0;
	s0 =	rddreg [dreg:$0x2]  }
0x10a: {  	s0 =	sadd.s32 @!p0 $0x100000, s0  }
0x10b: {  	[sflag:s0] =	ssyncadd.tile.s32 @!p0 $0x1;
	_ =	shalt  }
.Lfunc_end2:
_tile_overlayer_lowered:
.L_overlay_start_2:
0x10c: {  	(tag) =	ssettag $0x2  }
0x10d: {  	s0 =	rddreg [dreg:$0x0];
	s2 =	stileid.u32  }
0x10e: {  	s1 =	rddreg [dreg:$0x1];
	p0 =	sne.s32 s2, $0x0  }
0x10f: {  	s3 =	rddreg [dreg:$0x2];
	[bflag:$0x3] =	sbarrier.arrive $0xFFFF;
	s2 =	simm.s32 @!p0 $0x1C02  }
0x110: {  	[timem:s3], [sflag:s2] =	dma.local @!p0 [hbm:s0], s1  }
0x111: {  	s0 =	simm.s32 @!p0 $0x2  }
0x112: {  	_ =	swait.ge @!p0 [sflag:s0], s1  }
0x113: {  	s1 =	ssub.s32 @!p0 $0x0, s1;
	[sflag:s0] =	ssyncset.done @!p0 $0x0  }
0x114: {  	[sflag:s0] =	ssyncadd.s32 @!p0 s1  }
0x115: {  	[bflag:$0x3] =	sbarrier.arrive $0xFFFF  }
0x116: {  	_ =	shalt  }

// kernel: sparse-core-data-format-call.cloned.1.call-start
scs
called_computation_lowered:
.L_overlay_start_0:
0x0: {  	s2 =	sld [smem:$0x3FD9]  }
0x1: {  	s3 =	sld [smem:$0x3FFE];
	_ =	sdelay $0x1  }
0x2: {  	s1 =	srdreg.scid  }
0x3: {  	s0 =	sand.u32 $0x1, s1  }
0x4: {  	s18 =	sshll.u32 s0, $0xA;
	s2 =	sadd.s32 s3, s2  }
0x5: {  	s2 =	sadd.s32 s2, s18  }
0x6: {  	[smem:$0x3FB8] =	sst s2  }
0x7: {  	_ = 	snop  }
0x8: {  	s2 =	sld [smem:$0x3FC8];
	(tm) =	ssettm $0x1  }
0x9: {  	s19 =	sld [smem:$0x3FFB];
	_ =	sdelay $0x3  }
0xa: {  	_ =	strace s19  }
0xb: {  	s3 =	sld [smem:$0x3FFC];
	_ =	sdelay $0x3  }
0xc: {  	_ =	strace s3  }
0xd: {  	s3 =	sld [smem:$0x3FFD];
	_ =	sdelay $0x3  }
0xe: {  	_ =	strace s3  }
0xf: {  	_ =	strace $0x8FFFFFFF  }
0x10: {  	s20 =	sld [smem:$0x3FDB];
	_ =	sdelay $0x1  }
0x11: {  	s4 =	simm.s32 $_scs_section_size  }
0x12: {  	s5 =	simm.s32 $_size__tile_overlayer_lowered;
	s6 =	simm.s32 $_tile_overlayer_lowered  }
0x13: {  	s23 =	simm.s32 $0x1BFF;
	s22 =	sshll.u32 s6, $0x1;
	s3 =	sadd.s32 s4, s20  }
0x14: {  	s7 =	simm.s32 $0x0;
	s21 =	sshll.u32 s5, $0x1;
	s5 =	sadd.s32 s22, s3  }
0x15: {  	[timem:s7], [sflag:s23] =	dma.local [hbm:s5], s21  }
0x16: {  	_ =	swait.ge [sflag:s23], s21  }
0x17: {  	s4 =	ssub.s32 $0x0, s21;
	[sflag:s23] =	ssyncset.done $0x0  }
0x18: {  	[sflag:s23] =	ssyncadd.s32 s4;
	_ =	sdelay $0x1  }
0x19: {  	s24 =	simm.s32 $0x1B8B  }
0x1a: {  	_ =	swait.ge [sflag:s24], $0x1  }
0x1b: {  	[sflag:s24] =	ssyncset.done $0x0  }
0x1c: {  	s26 =	simm.s32 $0x1B8E;
	s25 =	sld [smem:$0x3FFE];
	[sflag:s24] =	ssyncadd.s32 $0xFFFFFFFF  }
0x1d: {  	s27 =	simm.s32 $execute0_lowered;
	[smem:$0x3FD2] =	sst s26  }
0x1e: {  	s5 =	sshll.u32 s27, $0x1;
	_ =	strace $0x80000046;
	[dreg:$0x1] =	wrdreg $0xFFFFFFFF  }
0x1f: {  	s28 =	simm.s32 $_size_execute0_lowered;
	s3 =	sadd.s32 s3, s5;
	[dreg:$0x0] =	wrdreg $0x0  }
0x20: {  	s5 =	sshll.u32 s28, $0x1;
	[dreg:$0x2] =	wrdreg s3  }
0x21: {  	[dreg:$0x3] =	wrdreg s5  }
0x22: {  	[dreg:$0x4] =	wrdreg $0xC0  }
0x23: {  	_ =	task [dreg:s7], $0x5FFFF  }
0x24: {  	[dreg:$0x1] =	wrdreg $0xFFFFFFFF  }
0x25: {  	[dreg:$0x0] =	wrdreg $0x60  }
0x26: {  	[dreg:$0x2] =	wrdreg s2  }
0x27: {  	[dreg:$0x3] =	wrdreg s25  }
0x28: {  	[dreg:$0x4] =	wrdreg $0x9  }
0x29: {  	_ =	task.clear_ibuf [dreg:s7], $0x5FFFF;
	_ =	strace $0x90000046  }
0x2a: {  	s29 =	simm.s32 $0x9;
	_ =	strace $0x80000048  }
0x2b: {  	_ =	swait.ge [sflag:s29], $0x1  }
0x2c: {  	[sflag:s29] =	ssyncadd.s32 $0xFFFFFFFF  }
0x2d: {  	_ =	strace $0x90000048  }
0x2e: {  	_ =	sfence  }
0x2f: {  	s30 =	sld [smem:$0x0];
	_ =	sdelay $0x2  }
0x30: {  	s31 =	sshll.u32 s1, $0xD;
	s1 =	sshrl.u32 s1, $0x2  }
0x31: {  	s3 =	sand.u32 $0x4000, s31;
	s1 =	sadd.s32 s1, s30  }
0x32: {  	s0 =	sor.u32 s3, s0;
	s1 =	sshll.u32 s1, $0x11  }
0x33: {  	s0 =	sor.u32 s1, s0  }
0x34: {  	s0 =	sadd.s32 $0x8F2B, s0  }
0x35: {  	[sflag:s0] =	ssyncadd.remote.s32 $0x1  }
0x36: {  	_ =	sfence.sel $0xFFFF  }
0x37: {  	[dreg:$0x0] =	wrdreg $0xFFFFFFFF;
	(pc) =	sbr.abs _section_cstart, $3  }
0x38: {  	[dreg:$0x1] =	wrdreg $0xFFFFFFFF  }
0x39: {  	_ =	task.clear_ibuf [dreg:s7], $0x2FFFF;
	_ =	strace $0x9FFFFFFF  }
0x3a: {  	(tm) =	ssettm $0x7FFFFFFF  }
0x3b: {  	_ =	shalt  }
tec
execute0_lowered:
.L_overlay_start_1:
0x0: {  	(tag) =	ssettag $0x1  }
0x1: {  	s0 =	srdreg.scid  }
0x2: {  	s1 =	sshll.u32 s0, $0x4  }
0x3: {  	s2 =	rddreg [dreg:$0x0];
	s0 =	stileid.u32;
	s1 =	sand.u32 $0x10, s1  }
0x4: {  	s4 =	rddreg [dreg:$0x1];
	s7 =	simm.s32 $0x1;
	s1 =	sor.u32 s0, s1  }
0x5: {  	s8 =	simm.s32 $0x2;
	s9 =	simm.s32 $0x0;
	s3 =	sshll.u32 s1, $0x1  }
0x6: {  	s12 =	simm.s32 $0x0;
	s11 =	simm.s32 $0x0;
	s6 =	ssub.s32 $0x1000, s3  }
.Ltmp0:
0x7: {  	s4 =	sadd.s32 $0x2E00, s4;
	s5 =	sand.u32 $0x3E, s6;
	(pc) =	sbr.rel .LBB1_1-.Ltmp0, $4  }
0x8: {  	s1 =	rddreg [dreg:$0x2];
	_ =	strace $0x80000047;
	p0 =	sne.s32 s5, $0x0  }
0x9: {  	s6 =	sshrl.u32 s6, $0x6;
	s5 =	simm.s32 $0x1;
	s7 =	simm.s32 @!p0 $0x0  }
0xa: {  	s10 =	smov.u32 s3;
	[sflag:s5] =	ssyncpa.u1 $0x0;
	s6 =	sadd.s32 s7, s6  }
0xb: {  	[sflag:s8] =	ssyncpa.u1 $0x0;
	s8 =	simm.s32 $0x0;
	s7 =	sadd.s32 $0x1, s6  }
.LBB1_9:
0xc: {  	s14 =	sadd.s32 $0x40, s10  }
0xd: {  	p1 =	sgt.s32 s14, $0xFFF  }
0xe: {  	s14 =	smov.u32 @p1 s3;
	p1 =	sne.s32 s11, s7  }
.Ltmp1:
0xf: {  	p0 =	slt.u32 s11, $0x2;
	(pc) =	sbr.rel @!p1 .LBB1_10-.Ltmp1, $4  }
0x10: {  	s13 =	simm.s32 @!p0 $0x2  }
0x11: {  	s15 =	sadd.s32 $0x1, s11;
	_ =	swait.ge @!p0 [sflag:s13], $0x4000  }
0x12: {  	s12 =	smov.u32 s10;
	s9 =	sadd.s32 $0x4000, s9;
	[sflag:s13] =	ssyncset.done @!p0 $0x0  }
0x13: {  	s11 =	smov.u32 s15;
	s10 =	smov.u32 s14;
	[sflag:s13] =	ssyncadd.s32 @!p0 $0xFFFFC000  }
.LBB1_1:
0x14: {  	p0 =	sge.u32 s11, s6  }
0x15: {  	s13 =	sxor.u32 @!p0 $0xFFFFFFFF, s11  }
0x16: {  	s31 =	sadd.s32 $0xFFFFFFFF, s11;
	s14 =	sshll.u32 @!p0 s10, $0xA;
	s13 =	sshll.u32 @!p0 s13, $0xE  }
0x17: {  	s15 =	simm.s32 @!p0 $0x0;
	s14 =	sadd.s32 @!p0 s2, s14;
	s13 =	sand.u32 @!p0 $0x4000, s13  }
0x18: {  	[tilespmem:s13], [sflag:$0x1] =	stream.linear.gather @!p0 [hbm4b:s14+s15], $0x4000, $0x38;
	[tilespmem:$0x10000] =	vst v63  }
0x19: {  	p0 =	sge.u32 s31, s6  }
.Ltmp2:
0x1a: {  	_ = 	snop;
	(pc) =	sbr.rel @p0 .LBB1_9-.Ltmp2, $1  }
0x1b: {  	_ =	sdelay $0x3  }
0x1c: {  	s13 =	sshll.u32 s9, $0x2  }
0x1d: {  	_ =	swait.ge [sflag:s5], $0x4000;
	s14 =	sshll.u32 s11, $0xE;
	s16 =	simm.s32 $0x0  }
0x1e: {  	p1 =	por $0x1, $0x1;
	s13 =	sand.u32 $0x10000, s13;
	[sflag:s5] =	ssyncset.done $0x0  }
0x1f: {  	s14 =	sand.u32 $0x4000, s14;
	s15 =	sshrl.u32 s13, $0x2;
	[sflag:s5] =	ssyncadd.s32 $0xFFFFC000  }
0x20: {  	s13 =	sor.u32 $0x8000, s14;
	s14 =	sadd.s32 $0x8040, s15;
	s15 =	sadd.s32 $0x40, s15  }
.LBB1_3:
0x21: {  	s16 =	sshll.u32 s16, $0x2  }
0x22: {  	p0 =	por p1, p1;
	s17 =	sshra.s32 s16, $0x2  }
0x23: {  	s18 =	simm.s32 $0x0;
	s16 =	sadd.s32 s17, s14;
	s17 =	sadd.s32 s17, s15  }
.LBB1_4:
0x24: {  	v0 =	vmov s17;
	_ =	sdelay $0x3  }
0x25: {  	s20 =	simm.s32 $0x0  }
0x26: {  	v6 =	vld.idx.msk [tilespmem:v0+s20+$0x30 ss:$0x1], $0xffff  }
0x27: {  	v7 =	vld.idx.msk [tilespmem:v0+s20+$0xFFFFFFC0 ss:$0x1], $0xffff  }
0x28: {  	v5 =	vld.idx.msk [tilespmem:v0+s20+$0xFFFFFFD0 ss:$0x1], $0xffff  }
0x29: {  	v4 =	vld.idx.msk [tilespmem:v0+s20+$0xFFFFFFE0 ss:$0x1], $0xffff  }
0x2a: {  	v3 =	vld.idx.msk [tilespmem:v0+s20+$0xFFFFFFF0 ss:$0x1], $0xffff  }
0x2b: {  	v1 =	vld.idx.msk [tilespmem:v0+s20+$0x0 ss:$0x1], $0xffff  }
0x2c: {  	v2 =	vld.idx.msk [tilespmem:v0+s20+$0x10 ss:$0x1], $0xffff;
	[tilespmem:s16+$0x30] =	vst v6  }
0x2d: {  	s19 =	simm.s32 $0x80;
	s21 =	simm.s32 $0x400;
	[tilespmem:s16+$0xFFFFFFC0] =	vst v7;
	v6 =	vld.idx.msk [tilespmem:v0+s20+$0x20 ss:$0x1], $0xffff;
	s20 =	smov.u32 s16  }
.LBB1_5:
0x2e: {  	p1 =	sne.s32 s21, $0xE00;
	v7 =	vld.idx.msk [tilespmem:v0+s19+$0x30 ss:$0x1], $0xffff;
	[tilespmem:s20+$0xFFFFFFD0] =	vst v5  }
0x2f: {  	v8 =	vld.idx.msk [tilespmem:v0+s19+$0xFFFFFFC0 ss:$0x1], $0xffff;
	[tilespmem:s20+$0xFFFFFFE0] =	vst v4  }
0x30: {  	v5 =	vld.idx.msk [tilespmem:v0+s19+$0xFFFFFFD0 ss:$0x1], $0xffff;
	[tilespmem:s20+$0xFFFFFFF0] =	vst v3  }
.Ltmp3:
0x31: {  	v4 =	vld.idx.msk [tilespmem:v0+s19+$0xFFFFFFE0 ss:$0x1], $0xffff;
	[tilespmem:s20+$0x0] =	vst v1;
	(pc) =	sbr.rel @p1 .LBB1_5-.Ltmp3, $4  }
0x32: {  	v3 =	vld.idx.msk [tilespmem:v0+s19+$0xFFFFFFF0 ss:$0x1], $0xffff;
	[tilespmem:s20+$0x10] =	vst v2  }
0x33: {  	v1 =	vld.idx.msk [tilespmem:v0+s19+$0x0 ss:$0x1], $0xffff;
	[tilespmem:s20+$0x20] =	vst v6;
	s20 =	sadd.s32 $0x400, s20  }
0x34: {  	v2 =	vld.idx.msk [tilespmem:v0+s19+$0x10 ss:$0x1], $0xffff;
	[tilespmem:s20+$0x30] =	vst v7  }
0x35: {  	[tilespmem:s20+$0xFFFFFFC0] =	vst v8;
	v6 =	vld.idx.msk [tilespmem:v0+s19+$0x20 ss:$0x1], $0xffff;
	s19 =	sshra.s32 s21, $0x2;
	s21 =	sadd.s32 $0x200, s21  }
0x36: {  	_ =	sdelay $0x2  }
0x37: {  	[tilespmem:s20+$0xFFFFFFD0] =	vst v5  }
0x38: {  	v56 =	vld.idx.msk [tilespmem:v0+s19+$0x30 ss:$0x1], $0xffff;
	[tilespmem:s20+$0xFFFFFFE0] =	vst v4  }
0x39: {  	v57 =	vld.idx.msk [tilespmem:v0+s19+$0xFFFFFFC0 ss:$0x1], $0xffff;
	[tilespmem:s20+$0xFFFFFFF0] =	vst v3  }
0x3a: {  	v58 =	vld.idx.msk [tilespmem:v0+s19+$0xFFFFFFD0 ss:$0x1], $0xffff;
	[tilespmem:s20+$0x0] =	vst v1  }
0x3b: {  	v59 =	vld.idx.msk [tilespmem:v0+s19+$0xFFFFFFE0 ss:$0x1], $0xffff;
	[tilespmem:s20+$0x10] =	vst v2  }
0x3c: {  	v60 =	vld.idx.msk [tilespmem:v0+s19+$0xFFFFFFF0 ss:$0x1], $0xffff;
	s31 =	sadd.s32 $0x400, s20;
	[tilespmem:s20+$0x20] =	vst v6  }
0x3d: {  	v61 =	vld.idx.msk [tilespmem:v0+s19+$0x0 ss:$0x1], $0xffff;
	[tilespmem:s31+$0x30] =	vst v56  }
0x3e: {  	v62 =	vld.idx.msk [tilespmem:v0+s19+$0x10 ss:$0x1], $0xffff;
	s18 =	sadd.s32 $0x1, s18;
	[tilespmem:s31+$0xFFFFFFC0] =	vst v57  }
0x3f: {  	v63 =	vld.idx.msk [tilespmem:v0+s19+$0x20 ss:$0x1], $0xffff;
	p1 =	sne.s32 s18, $0x8;
	[tilespmem:s31+$0xFFFFFFD0] =	vst v58  }
.Ltmp4:
0x40: {  	[tilespmem:s31+$0xFFFFFFE0] =	vst v59;
	(pc) =	sbr.rel @p1 .LBB1_4-.Ltmp4, $4  }
0x41: {  	[tilespmem:s31+$0xFFFFFFF0] =	vst v60  }
0x42: {  	[tilespmem:s31+$0x0] =	vst v61  }
0x43: {  	[tilespmem:s31+$0x10] =	vst v62  }
0x44: {  	s16 =	sadd.s32 $0x80, s16;
	s17 =	sadd.s32 $0x400, s17;
	[tilespmem:s31+$0x20] =	vst v63  }
.Ltmp5:
0x45: {  	(pc) =	sbr.rel @p0 .LBB1_3-.Ltmp5, $2  }
0x46: {  	_ =	sdelay $0x2  }
0x47: {  	s16 =	simm.s32 $0x2000;
	p1 =	por $0x0, $0x0  }
.Ltmp6:
0x48: {  	(pc) =	sbr.rel .LBB1_9-.Ltmp6, $4  }
0x49: {  	_ = 	snop  }
0x4a: {  	s12 =	sshll.u32 s12, $0xA  }
0x4b: {  	s12 =	sadd.s32 s4, s12  }
0x4c: {  	[hbm4b:s12+s8] =	stream.linear.scatter [tilespmem:s13], [sflag:$0x2], $0x4000, $0x38;
	[tilespmem:$0x10000] =	vst v63  }
.LBB1_10:
0x4d: {  	_ =	sfence.sel $0x180000  }
0x4e: {  	s2 =	simm.s32 $0x1;
	[bflag:$0x0] =	sbarrier.arrive $0xFFFF  }
0x4f: {  	s31 =	simm.s32 $0x2;
	[sflag:s2] =	ssyncpa.u1 $0x1  }
0x50: {  	[sflag:s31] =	ssyncpa.u1 $0x1  }
0x51: {  	p0 =	sne.s32 s0, $0x0;
	_ =	strace $0x90000047  }
0x52: {  	s0 =	sadd.s32 @!p0 $0x100000, s1;
	[bflag:$0x2] =	sbarrier.arrive $0xFFFF  }
0x53: {  	[sflag:s0] =	ssyncadd.tile.s32 @!p0 $0x1;
	_ =	shalt  }
.Lfunc_end1:
_tile_overlayer_lowered:
.L_overlay_start_2:
0x54: {  	(tag) =	ssettag $0x2  }
0x55: {  	s0 =	rddreg [dreg:$0x0];
	s2 =	stileid.u32  }
0x56: {  	s1 =	rddreg [dreg:$0x1];
	p0 =	sne.s32 s2, $0x0  }
0x57: {  	s3 =	rddreg [dreg:$0x2];
	[bflag:$0x3] =	sbarrier.arrive $0xFFFF;
	s2 =	simm.s32 @!p0 $0x1C01  }
0x58: {  	[timem:s3], [sflag:s2] =	dma.local @!p0 [hbm:s0], s1  }
0x59: {  	s0 =	simm.s32 @!p0 $0x1  }
0x5a: {  	_ =	swait.ge @!p0 [sflag:s0], s1  }
0x5b: {  	s1 =	ssub.s32 @!p0 $0x0, s1;
	[sflag:s0] =	ssyncset.done @!p0 $0x0  }
0x5c: {  	[sflag:s0] =	ssyncadd.s32 @!p0 s1  }
0x5d: {  	[bflag:$0x3] =	sbarrier.arrive $0xFFFF  }
0x5e: {  	_ =	shalt  }

</sc_bundles>
